<compile_context>
chip_gen: v7x
topology: tpu7x:2x2x1
jax: 0.10.2.dev20260603
libtpu: 0.0.44.dev20260713+nightly
codegen_flags: <defaults>
</compile_context>

<pallas_src>
import functools

import jax
import jax.numpy as jnp
from jax import lax
from jax.experimental import pallas as pl
from jax.experimental.pallas import tpu as pltpu
from jax.experimental.pallas import tpu_sc as plsc

N = 10000
H = 128
E = 320000
NTILE = 16
NCORE = 2
CH = 128
NCH = 160
EPT = CH * NCH
E_PAD = EPT * NTILE
G = 40
NG = NCH // G
NPAD = 10112
RPT = NPAD // NTILE

_sc_cache = {}


def _get_sc_kernels():
    if "k" in _sc_cache:
        return _sc_cache["k"]

    mesh = plsc.VectorSubcoreMesh(core_axis_name="c", subcore_axis_name="s",
                                  num_cores=NCORE, num_subcores=NTILE)

    @functools.partial(
        pl.kernel,
        out_type=jax.ShapeDtypeStruct((NCORE * NPAD, H), jnp.float32),
        mesh=mesh,
        scratch_types=[
            pltpu.VMEM((NCH, CH), jnp.int32),
            pltpu.VMEM((CH, H), jnp.float32),
            pltpu.VMEM_SHARED((NPAD, H), jnp.float32),
        ],
    )
    def _sc_count(dst_hbm, ones_hbm, zeros_hbm, out_hbm, dstv, onesv, acc):
        cid = lax.axis_index("c")
        tid = lax.axis_index("s")
        base = (cid * NTILE + tid) * NCH
        pltpu.sync_copy(dst_hbm.at[pl.ds(base, NCH)], dstv)
        pltpu.sync_copy(ones_hbm, onesv)
        pltpu.sync_copy(zeros_hbm, acc.at[pl.ds(tid * RPT, RPT)])
        plsc.subcore_barrier()

        @pl.loop(0, NCH)
        def _(j):
            pltpu.sync_copy(onesv, acc.at[dstv.at[j]], add=True)

        plsc.subcore_barrier()
        pltpu.sync_copy(acc.at[pl.ds(tid * RPT, RPT)],
                        out_hbm.at[pl.ds(cid * NPAD + tid * RPT, RPT)])

    @functools.partial(
        pl.kernel,
        out_type=jax.ShapeDtypeStruct((NCORE * NPAD, H), jnp.float32),
        mesh=mesh,
        scratch_types=[
            pltpu.VMEM((G, CH), jnp.int32),
            pltpu.VMEM((G, CH), jnp.int32),
            pltpu.VMEM((CH, H), jnp.float32),
            pltpu.VMEM((CH, H), jnp.float32),
            pltpu.VMEM_SHARED((NPAD, H), jnp.float32),
            pltpu.SemaphoreType.DMA,
            pltpu.SemaphoreType.DMA,
        ],
    )
    def _sc_agg(x_hbm, src_hbm, dst_hbm, zeros_hbm, out_hbm,
                srcv, dstv, buf_a, buf_b, acc, sem_a, sem_b):
        cid = lax.axis_index("c")
        tid = lax.axis_index("s")
        base = (cid * NTILE + tid) * NCH
        pltpu.sync_copy(zeros_hbm, acc.at[pl.ds(tid * RPT, RPT)])
        plsc.subcore_barrier()

        @pl.loop(0, NG)
        def _(g):
            pltpu.sync_copy(src_hbm.at[pl.ds(base + g * G, G)], srcv)
            pltpu.sync_copy(dst_hbm.at[pl.ds(base + g * G, G)], dstv)
            pltpu.async_copy(x_hbm.at[srcv.at[0]], buf_a, sem_a)

            @pl.loop(0, G, step=2)
            def _(j):
                pltpu.async_copy(x_hbm.at[srcv.at[j + 1]], buf_b, sem_b)
                pltpu.make_async_copy(x_hbm.at[srcv.at[j]], buf_a, sem_a).wait()
                pltpu.sync_copy(buf_a, acc.at[dstv.at[j]], add=True)

                @pl.when(j + 2 < G)
                def _():
                    pltpu.async_copy(x_hbm.at[srcv.at[j + 2]], buf_a, sem_a)

                pltpu.make_async_copy(x_hbm.at[srcv.at[j + 1]], buf_b,
                                      sem_b).wait()
                pltpu.sync_copy(buf_b, acc.at[dstv.at[j + 1]], add=True)

        plsc.subcore_barrier()
        pltpu.sync_copy(acc.at[pl.ds(tid * RPT, RPT)],
                        out_hbm.at[pl.ds(cid * NPAD + tid * RPT, RPT)])

    _sc_cache["k"] = (_sc_count, _sc_agg)
    return _sc_cache["k"]


def _proj_body(xu_ref, xi_ref, wu_ref, bu_ref, wi_ref, bi_ref, out_ref):
    out_ref[0:N, :] = (
        jnp.dot(xu_ref[...], wu_ref[...].T, preferred_element_type=jnp.float32)
        + bu_ref[...]
    )
    out_ref[N:2 * N, :] = (
        jnp.dot(xi_ref[...], wi_ref[...].T, preferred_element_type=jnp.float32)
        + bi_ref[...]
    )


_proj = pl.pallas_call(
    _proj_body,
    out_shape=jax.ShapeDtypeStruct((2 * N, H), jnp.float32),
)


def _bn_relu(o, gamma, beta):
    mu = jnp.mean(o, axis=0, keepdims=True)
    var = jnp.mean((o - mu) ** 2, axis=0, keepdims=True)
    xn = (o - mu) / jnp.sqrt(var + 1e-5) * gamma + beta
    return jnp.maximum(xn, 0.0)


def _post_body(sums_ref, cnt_ref, x_ref,
               wl_i_ref, bl_i_ref, wr_i_ref,
               wl_u_ref, bl_u_ref, wr_u_ref,
               g_u_ref, b_u_ref, g_i_ref, b_i_ref,
               out_ref):
    rcp_i = 1.0 / jnp.maximum(cnt_ref[0:N, 0:1], 1.0)
    mean_i = sums_ref[0:N, :] * rcp_i
    o_i = (
        jnp.dot(mean_i, wl_i_ref[...].T, preferred_element_type=jnp.float32)
        + bl_i_ref[...]
        + jnp.dot(x_ref[N:2 * N, :], wr_i_ref[...].T,
                  preferred_element_type=jnp.float32)
    )
    out_ref[N:2 * N, :] = _bn_relu(o_i, g_i_ref[...], b_i_ref[...])

    rcp_u = 1.0 / jnp.maximum(cnt_ref[NPAD:NPAD + N, 0:1], 1.0)
    mean_u = sums_ref[NPAD:NPAD + N, :] * rcp_u
    o_u = (
        jnp.dot(mean_u, wl_u_ref[...].T, preferred_element_type=jnp.float32)
        + bl_u_ref[...]
        + jnp.dot(x_ref[0:N, :], wr_u_ref[...].T,
                  preferred_element_type=jnp.float32)
    )
    out_ref[0:N, :] = _bn_relu(o_u, g_u_ref[...], b_u_ref[...])


_post = pl.pallas_call(
    _post_body,
    out_shape=jax.ShapeDtypeStruct((2 * N, H), jnp.float32),
)


def _prep_edges(ei, src_off):
    src = ei[0].astype(jnp.int32) + src_off
    dst = ei[1].astype(jnp.int32)
    pad = E_PAD - E
    src = jnp.concatenate([src, jnp.zeros((pad,), jnp.int32)])
    dst = jnp.concatenate([dst, jnp.full((pad,), N, jnp.int32)])
    return src.reshape(NTILE * NCH, CH), dst.reshape(NTILE * NCH, CH)


def kernel(x_user, x_item, edge_index_u2i, edge_index_i2u,
           lin_user_W, lin_user_b, lin_item_W, lin_item_b,
           sage_u2i_Wl, sage_u2i_bl, sage_u2i_Wr,
           sage_i2u_Wl, sage_i2u_bl, sage_i2u_Wr,
           bn_user_gamma, bn_user_beta, bn_item_gamma, bn_item_beta):
    src0, dst0 = _prep_edges(edge_index_u2i, 0)
    src1, dst1 = _prep_edges(edge_index_i2u, N)
    src_all = jnp.concatenate([src0, src1], axis=0)
    dst_all = jnp.concatenate([dst0, dst1], axis=0)

    ones_h = jnp.ones((CH, H), jnp.float32)
    zeros_h = jnp.zeros((RPT, H), jnp.float32)

    _sc_count, _sc_agg = _get_sc_kernels()
    cnt = _sc_count(dst_all, ones_h, zeros_h)
    x = _proj(x_user, x_item, lin_user_W, lin_user_b, lin_item_W, lin_item_b)

    for l in range(2):
        sums = _sc_agg(x, src_all, dst_all, zeros_h)
        x = _post(sums, cnt, x,
                  sage_u2i_Wl[l], sage_u2i_bl[l], sage_u2i_Wr[l],
                  sage_i2u_Wl[l], sage_i2u_bl[l], sage_i2u_Wr[l],
                  bn_user_gamma[l], bn_user_beta[l],
                  bn_item_gamma[l], bn_item_beta[l])

    return (x[0:N], x[N:2 * N])

# --- scband reference (transcript-rebuilt; emitter-appended) ---
"""Pipeline reference for scband-hetero-sageencoder-15290083574226 (READ-ONLY COPY).

The authoritative reference and input builder live on the scoring server;
editing this copy changes nothing except your own understanding.
"""

import jax, jax.numpy as jnp
import numpy as np

N_USER = 10000
N_ITEM = 10000
D_IN = 128
H = 128
E = 320000
L = 2


def _batchnorm(x, gamma, beta, eps=1e-5):
    mu = x.mean(axis=0)
    var = x.var(axis=0)  # biased variance, matches torch BN normalization
    return (x - mu) / jnp.sqrt(var + eps) * gamma + beta


def _sage(x_src, x_dst, ei, Wl, bl, Wr):
    # PyG SAGEConv: out = lin_l(mean_aggr(x_src[src] -> dst)) + lin_r(x_dst)
    src = ei[0]
    dst = ei[1]
    msg = x_src[src]  # gather: [E, H]
    s = jax.ops.segment_sum(msg, dst, num_segments=x_dst.shape[0])
    cnt = jax.ops.segment_sum(jnp.ones(dst.shape[0], dtype=x_src.dtype), dst, num_segments=x_dst.shape[0])
    mean = s / jnp.maximum(cnt, 1.0)[:, None]
    return mean @ Wl.T + bl + x_dst @ Wr.T


def setup_inputs(seed: int = 0):
    key = jax.random.key(seed)
    ks = jax.random.split(key, 32)
    inp = {}
    inp['x_user'] = jax.random.normal(ks[0], (N_USER, D_IN), dtype=jnp.float32)
    inp['x_item'] = jax.random.normal(ks[1], (N_ITEM, D_IN), dtype=jnp.float32)
    inp['edge_index_u2i'] = jnp.stack([
        jax.random.randint(ks[2], (E,), 0, N_USER),
        jax.random.randint(ks[3], (E,), 0, N_ITEM)])
    inp['edge_index_i2u'] = jnp.stack([
        jax.random.randint(ks[4], (E,), 0, N_ITEM),
        jax.random.randint(ks[5], (E,), 0, N_USER)])
    sc = 0.05
    # input projection per node type
    inp['lin_user_W'] = jax.random.normal(ks[6], (H, D_IN), dtype=jnp.float32) * sc
    inp['lin_user_b'] = jnp.zeros((H,), dtype=jnp.float32)
    inp['lin_item_W'] = jax.random.normal(ks[7], (H, D_IN), dtype=jnp.float32) * sc
    inp['lin_item_b'] = jnp.zeros((H,), dtype=jnp.float32)
    # SAGEConv params per layer (leading dim L), per edge type
    inp['sage_u2i_Wl'] = jax.random.normal(ks[8], (L, H, H), dtype=jnp.float32) * sc
    inp['sage_u2i_bl'] = jnp.zeros((L, H), dtype=jnp.float32)
    inp['sage_u2i_Wr'] = jax.random.normal(ks[9], (L, H, H), dtype=jnp.float32) * sc
    inp['sage_i2u_Wl'] = jax.random.normal(ks[10], (L, H, H), dtype=jnp.float32) * sc
    inp['sage_i2u_bl'] = jnp.zeros((L, H), dtype=jnp.float32)
    inp['sage_i2u_Wr'] = jax.random.normal(ks[11], (L, H, H), dtype=jnp.float32) * sc
    # BatchNorm params per layer per node type
    inp['bn_user_gamma'] = jnp.ones((L, H), dtype=jnp.float32)
    inp['bn_user_beta'] = jnp.zeros((L, H), dtype=jnp.float32)
    inp['bn_item_gamma'] = jnp.ones((L, H), dtype=jnp.float32)
    inp['bn_item_beta'] = jnp.zeros((L, H), dtype=jnp.float32)
    return inp


def reference(x_user, x_item, edge_index_u2i, edge_index_i2u,
              lin_user_W, lin_user_b, lin_item_W, lin_item_b,
              sage_u2i_Wl, sage_u2i_bl, sage_u2i_Wr,
              sage_i2u_Wl, sage_i2u_bl, sage_i2u_Wr,
              bn_user_gamma, bn_user_beta, bn_item_gamma, bn_item_beta):
    xu = x_user @ lin_user_W.T + lin_user_b
    xi = x_item @ lin_item_W.T + lin_item_b
    for l in range(L):
        # HeteroConv: each dst node type receives exactly one edge-type contribution here,
        # so the cross-edge-type 'mean' aggregation is the identity.
        out_i = _sage(xu, xi, edge_index_u2i, sage_u2i_Wl[l], sage_u2i_bl[l], sage_u2i_Wr[l])
        out_u = _sage(xi, xu, edge_index_i2u, sage_i2u_Wl[l], sage_i2u_bl[l], sage_i2u_Wr[l])
        xu = jax.nn.relu(_batchnorm(out_u, bn_user_gamma[l], bn_user_beta[l]))
        xi = jax.nn.relu(_batchnorm(out_i, bn_item_gamma[l], bn_item_beta[l]))
    return (xu, xi)

if __name__ == "__main__":
    import jax
    _d = setup_inputs()
    print(jax.jit(kernel)(*tuple(_d.values())))

</pallas_src>

<mosaic_0001>
#map = affine_map<(d0, d1) -> (0, 0)>
module attributes {stable_mosaic.version = 14 : i64} {
  func.func @_sc_agg(%arg0: i32, %arg1: i32, %arg2: memref<20000x128xf32, #tpu.memory_space<hbm>>, %arg3: memref<5120x128xi32, #tpu.memory_space<hbm>>, %arg4: memref<5120x128xi32, #tpu.memory_space<hbm>>, %arg5: memref<632x128xf32, #tpu.memory_space<hbm>>, %arg6: memref<20224x128xf32, #tpu.memory_space<hbm>>, %arg7: memref<40x128xi32, #tpu.memory_space<vmem>>, %arg8: memref<40x128xi32, #tpu.memory_space<vmem>>, %arg9: memref<128x128xf32, #tpu.memory_space<vmem>>, %arg10: memref<128x128xf32, #tpu.memory_space<vmem>>, %arg11: memref<10112x128xf32, #tpu.memory_space<vmem_shared>>, %arg12: memref<!tpu.dma_semaphore, #tpu.memory_space<semaphore_mem>>, %arg13: memref<!tpu.dma_semaphore, #tpu.memory_space<semaphore_mem>>) attributes {dimension_semantics = [#tpu.dimension_semantics<core_parallel>, #tpu.dimension_semantics<subcore_parallel>], iteration_bounds = array<i64: 2, 16>, scalar_prefetch = 0 : i64, scratch_operands = 7 : i64, tpu.core_type = #tpu.core_type<sc_vector_subcore>, window_params = [{transform_indices = #map}, {transform_indices = #map}, {transform_indices = #map}, {transform_indices = #map}, {transform_indices = #map}]} {
    %mul3A = arith.constant 16 : i32
    %mul3A_0 = arith.muli %arg0, %mul3A : i32
    %add3A = arith.addi %mul3A_0, %arg1 : i32
    %mul3A_1 = arith.constant 160 : i32
    %mul3A_2 = arith.muli %add3A, %mul3A_1 : i32
    %mul3A_3 = arith.constant 632 : i32
    %mul3A_4 = arith.muli %arg1, %mul3A_3 : i32
    "tpu.region"() ({
      %run_scoped3A = tpu.sem_alloc : memref<!tpu.dma_semaphore, #tpu.memory_space<semaphore_mem>>
      %dma_start3A = arith.constant 0 : i32
      %dma_start3A_17 = tpu.memref_slice %arg11[%mul3A_4, %dma_start3A] : memref<10112x128xf32, #tpu.memory_space<vmem_shared>> -> memref<632x128xf32, #tpu.memory_space<vmem_shared>>
      tpu.enqueue_dma source(%arg5 : memref<632x128xf32, #tpu.memory_space<hbm>>) target(%dma_start3A_17 : memref<632x128xf32, #tpu.memory_space<vmem_shared>>) target_semaphore(%run_scoped3A : memref<!tpu.dma_semaphore, #tpu.memory_space<semaphore_mem>>)
      %dma_wait3A = arith.constant 0 : i32
      %dma_wait3A_18 = tpu.memref_slice %arg11[%mul3A_4, %dma_wait3A] : memref<10112x128xf32, #tpu.memory_space<vmem_shared>> -> memref<632x128xf32, #tpu.memory_space<vmem_shared>>
      tpu.wait_dma2 semaphore(%run_scoped3A : memref<!tpu.dma_semaphore, #tpu.memory_space<semaphore_mem>>) src(%arg5 : memref<632x128xf32, #tpu.memory_space<hbm>>) dst(%dma_wait3A_18 : memref<632x128xf32, #tpu.memory_space<vmem_shared>>)
      tpu.yield
    }) : () -> ()
    %barrier3A = arith.constant 0 : index
    tpu.barrier barrier_id(%barrier3A)
    %scan3A = arith.constant 0 : i32
    %scan3A_5 = arith.constant 4 : i32
    %scan3A_6 = arith.addi %scan3A, %scan3A_5 : i32
    %scan3A_7 = arith.constant 1 : i32
    scf.for %scan3A_17 = %scan3A to %scan3A_6 step %scan3A_7  : i32 {
      %mul3A_18 = arith.constant 1 : i32
      %mul3A_19 = arith.muli %scan3A_17, %mul3A_18 : i32
      %add3A_20 = arith.constant 0 : i32
      %add3A_21 = arith.addi %add3A_20, %mul3A_19 : i32
      %mul3A_22 = arith.constant 40 : i32
      %mul3A_23 = arith.muli %add3A_21, %mul3A_22 : i32
      %add3A_24 = arith.addi %mul3A_2, %mul3A_23 : i32
      "tpu.region"() ({
        %run_scoped3A = tpu.sem_alloc : memref<!tpu.dma_semaphore, #tpu.memory_space<semaphore_mem>>
        %dma_start3A_39 = arith.constant 0 : i32
        %dma_start3A_40 = tpu.memref_slice %arg3[%add3A_24, %dma_start3A_39] : memref<5120x128xi32, #tpu.memory_space<hbm>> -> memref<40x128xi32, #tpu.memory_space<hbm>>
        %dma_start3A_41 = arith.constant 0 : i32
        %dma_start3A_42 = tpu.memref_slice %arg3[%add3A_24, %dma_start3A_41] : memref<5120x128xi32, #tpu.memory_space<hbm>> -> memref<40x128xi32, #tpu.memory_space<hbm>>
        tpu.enqueue_dma source(%dma_start3A_42 : memref<40x128xi32, #tpu.memory_space<hbm>>) target(%arg7 : memref<40x128xi32, #tpu.memory_space<vmem>>) target_semaphore(%run_scoped3A : memref<!tpu.dma_semaphore, #tpu.memory_space<semaphore_mem>>)
        %dma_wait3A = arith.constant 0 : i32
        %dma_wait3A_43 = tpu.memref_slice %arg3[%add3A_24, %dma_wait3A] : memref<5120x128xi32, #tpu.memory_space<hbm>> -> memref<40x128xi32, #tpu.memory_space<hbm>>
        %dma_wait3A_44 = arith.constant 0 : i32
        %dma_wait3A_45 = tpu.memref_slice %arg3[%add3A_24, %dma_wait3A_44] : memref<5120x128xi32, #tpu.memory_space<hbm>> -> memref<40x128xi32, #tpu.memory_space<hbm>>
        tpu.wait_dma2 semaphore(%run_scoped3A : memref<!tpu.dma_semaphore, #tpu.memory_space<semaphore_mem>>) src(%dma_wait3A_45 : memref<40x128xi32, #tpu.memory_space<hbm>>) dst(%arg7 : memref<40x128xi32, #tpu.memory_space<vmem>>)
        tpu.yield
      }) : () -> ()
      %mul3A_25 = arith.constant 40 : i32
      %mul3A_26 = arith.muli %add3A_21, %mul3A_25 : i32
      %add3A_27 = arith.addi %mul3A_2, %mul3A_26 : i32
      "tpu.region"() ({
        %run_scoped3A = tpu.sem_alloc : memref<!tpu.dma_semaphore, #tpu.memory_space<semaphore_mem>>
        %dma_start3A_39 = arith.constant 0 : i32
        %dma_start3A_40 = tpu.memref_slice %arg4[%add3A_27, %dma_start3A_39] : memref<5120x128xi32, #tpu.memory_space<hbm>> -> memref<40x128xi32, #tpu.memory_space<hbm>>
        %dma_start3A_41 = arith.constant 0 : i32
        %dma_start3A_42 = tpu.memref_slice %arg4[%add3A_27, %dma_start3A_41] : memref<5120x128xi32, #tpu.memory_space<hbm>> -> memref<40x128xi32, #tpu.memory_space<hbm>>
        tpu.enqueue_dma source(%dma_start3A_42 : memref<40x128xi32, #tpu.memory_space<hbm>>) target(%arg8 : memref<40x128xi32, #tpu.memory_space<vmem>>) target_semaphore(%run_scoped3A : memref<!tpu.dma_semaphore, #tpu.memory_space<semaphore_mem>>)
        %dma_wait3A = arith.constant 0 : i32
        %dma_wait3A_43 = tpu.memref_slice %arg4[%add3A_27, %dma_wait3A] : memref<5120x128xi32, #tpu.memory_space<hbm>> -> memref<40x128xi32, #tpu.memory_space<hbm>>
        %dma_wait3A_44 = arith.constant 0 : i32
        %dma_wait3A_45 = tpu.memref_slice %arg4[%add3A_27, %dma_wait3A_44] : memref<5120x128xi32, #tpu.memory_space<hbm>> -> memref<40x128xi32, #tpu.memory_space<hbm>>
        tpu.wait_dma2 semaphore(%run_scoped3A : memref<!tpu.dma_semaphore, #tpu.memory_space<semaphore_mem>>) src(%dma_wait3A_45 : memref<40x128xi32, #tpu.memory_space<hbm>>) dst(%arg8 : memref<40x128xi32, #tpu.memory_space<vmem>>)
        tpu.yield
      }) : () -> ()
      %dma_start3A = arith.constant 0 : i32
      %dma_start3A_28 = arith.constant 0 : i32
      %dma_start3A_29 = tpu.memref_slice %arg7[%dma_start3A, %dma_start3A_28] : memref<40x128xi32, #tpu.memory_space<vmem>> -> memref<1x128xi32, #tpu.memory_space<vmem>>
      %dma_start3A_30 = tpu.memref_squeeze %dma_start3A_29 : memref<1x128xi32, #tpu.memory_space<vmem>> -> memref<128xi32, #tpu.memory_space<vmem>>
      %dma_start3A_31 = arith.constant 0 : i32
      %dma_start3A_32 = arith.constant 0 : i32
      %dma_start3A_33 = tpu.memref_slice %arg2[%dma_start3A_31, %dma_start3A_32] : memref<20000x128xf32, #tpu.memory_space<hbm>> -> memref<20000x128xf32, #tpu.memory_space<hbm>>
      tpu.enqueue_indirect_dma source(%dma_start3A_33 : memref<20000x128xf32, #tpu.memory_space<hbm>>) target(%arg9 : memref<128x128xf32, #tpu.memory_space<vmem>>) offsets(%dma_start3A_30 : memref<128xi32, #tpu.memory_space<vmem>>) semaphore(%arg12 : memref<!tpu.dma_semaphore, #tpu.memory_space<semaphore_mem>>)
      %scan3A_34 = arith.constant 0 : i32
      %scan3A_35 = arith.constant 20 : i32
      %scan3A_36 = arith.addi %scan3A_34, %scan3A_35 : i32
      %scan3A_37 = arith.constant 1 : i32
      scf.for %scan3A_39 = %scan3A_34 to %scan3A_36 step %scan3A_37  : i32 {
        %mul3A_40 = arith.constant 2 : i32
        %mul3A_41 = arith.muli %scan3A_39, %mul3A_40 : i32
        %add3A_42 = arith.constant 0 : i32
        %add3A_43 = arith.addi %add3A_42, %mul3A_41 : i32
        %add3A_44 = arith.constant 1 : i32
        %add3A_45 = arith.addi %add3A_43, %add3A_44 : i32
        %dma_start3A_46 = arith.constant 0 : i32
        %dma_start3A_47 = tpu.memref_slice %arg7[%add3A_45, %dma_start3A_46] : memref<40x128xi32, #tpu.memory_space<vmem>> -> memref<1x128xi32, #tpu.memory_space<vmem>>
        %dma_start3A_48 = tpu.memref_squeeze %dma_start3A_47 : memref<1x128xi32, #tpu.memory_space<vmem>> -> memref<128xi32, #tpu.memory_space<vmem>>
        %dma_start3A_49 = arith.constant 0 : i32
        %dma_start3A_50 = arith.constant 0 : i32
        %dma_start3A_51 = tpu.memref_slice %arg2[%dma_start3A_49, %dma_start3A_50] : memref<20000x128xf32, #tpu.memory_space<hbm>> -> memref<20000x128xf32, #tpu.memory_space<hbm>>
        tpu.enqueue_indirect_dma source(%dma_start3A_51 : memref<20000x128xf32, #tpu.memory_space<hbm>>) target(%arg10 : memref<128x128xf32, #tpu.memory_space<vmem>>) offsets(%dma_start3A_48 : memref<128xi32, #tpu.memory_space<vmem>>) semaphore(%arg13 : memref<!tpu.dma_semaphore, #tpu.memory_space<semaphore_mem>>)
        %dma_wait3A = arith.constant 0 : i32
        %dma_wait3A_52 = tpu.memref_slice %arg7[%add3A_43, %dma_wait3A] : memref<40x128xi32, #tpu.memory_space<vmem>> -> memref<1x128xi32, #tpu.memory_space<vmem>>
        %dma_wait3A_53 = tpu.memref_squeeze %dma_wait3A_52 : memref<1x128xi32, #tpu.memory_space<vmem>> -> memref<128xi32, #tpu.memory_space<vmem>>
        %dma_wait3A_54 = arith.constant 0 : i32
        %dma_wait3A_55 = arith.constant 0 : i32
        %dma_wait3A_56 = tpu.memref_slice %arg2[%dma_wait3A_54, %dma_wait3A_55] : memref<20000x128xf32, #tpu.memory_space<hbm>> -> memref<20000x128xf32, #tpu.memory_space<hbm>>
        tpu.wait_indirect_dma semaphore(%arg12 : memref<!tpu.dma_semaphore, #tpu.memory_space<semaphore_mem>>) src(%dma_wait3A_56 : memref<20000x128xf32, #tpu.memory_space<hbm>>) dst(%arg9 : memref<128x128xf32, #tpu.memory_space<vmem>>)
        "tpu.region"() ({
          %run_scoped3A = tpu.sem_alloc : memref<!tpu.dma_semaphore, #tpu.memory_space<semaphore_mem>>
          %dma_start3A_71 = arith.constant 0 : i32
          %dma_start3A_72 = tpu.memref_slice %arg8[%add3A_43, %dma_start3A_71] : memref<40x128xi32, #tpu.memory_space<vmem>> -> memref<1x128xi32, #tpu.memory_space<vmem>>
          %dma_start3A_73 = tpu.memref_squeeze %dma_start3A_72 : memref<1x128xi32, #tpu.memory_space<vmem>> -> memref<128xi32, #tpu.memory_space<vmem>>
          %dma_start3A_74 = arith.constant 0 : i32
          %dma_start3A_75 = arith.constant 0 : i32
          %dma_start3A_76 = tpu.memref_slice %arg11[%dma_start3A_74, %dma_start3A_75] : memref<10112x128xf32, #tpu.memory_space<vmem_shared>> -> memref<10112x128xf32, #tpu.memory_space<vmem_shared>>
          tpu.enqueue_indirect_dma source(%arg9 : memref<128x128xf32, #tpu.memory_space<vmem>>) target(%dma_start3A_76 : memref<10112x128xf32, #tpu.memory_space<vmem_shared>>) offsets(%dma_start3A_73 : memref<128xi32, #tpu.memory_space<vmem>>) semaphore(%run_scoped3A : memref<!tpu.dma_semaphore, #tpu.memory_space<semaphore_mem>>) {add = true}
          %dma_wait3A_77 = arith.constant 0 : i32
          %dma_wait3A_78 = tpu.memref_slice %arg8[%add3A_43, %dma_wait3A_77] : memref<40x128xi32, #tpu.memory_space<vmem>> -> memref<1x128xi32, #tpu.memory_space<vmem>>
          %dma_wait3A_79 = tpu.memref_squeeze %dma_wait3A_78 : memref<1x128xi32, #tpu.memory_space<vmem>> -> memref<128xi32, #tpu.memory_space<vmem>>
          %dma_wait3A_80 = arith.constant 0 : i32
          %dma_wait3A_81 = arith.constant 0 : i32
          %dma_wait3A_82 = tpu.memref_slice %arg11[%dma_wait3A_80, %dma_wait3A_81] : memref<10112x128xf32, #tpu.memory_space<vmem_shared>> -> memref<10112x128xf32, #tpu.memory_space<vmem_shared>>
          tpu.wait_indirect_dma semaphore(%run_scoped3A : memref<!tpu.dma_semaphore, #tpu.memory_space<semaphore_mem>>) src(%arg9 : memref<128x128xf32, #tpu.memory_space<vmem>>) dst(%dma_wait3A_82 : memref<10112x128xf32, #tpu.memory_space<vmem_shared>>)
          tpu.yield
        }) : () -> ()
        %add3A_57 = arith.constant 2 : i32
        %add3A_58 = arith.addi %add3A_43, %add3A_57 : i32
        %lt3A = arith.constant 40 : i32
        %lt3A_59 = arith.cmpi slt, %add3A_58, %lt3A : i32
        %convert_element_type3A = arith.extui %lt3A_59 : i1 to i32
        %cond3A = arith.constant 0 : i32
        %cond3A_60 = arith.cmpi ne, %convert_element_type3A, %cond3A : i32
        scf.if %cond3A_60 {
          %add3A_71 = arith.constant 2 : i32
          %add3A_72 = arith.addi %add3A_43, %add3A_71 : i32
          %dma_start3A_73 = arith.constant 0 : i32
          %dma_start3A_74 = tpu.memref_slice %arg7[%add3A_72, %dma_start3A_73] : memref<40x128xi32, #tpu.memory_space<vmem>> -> memref<1x128xi32, #tpu.memory_space<vmem>>
          %dma_start3A_75 = tpu.memref_squeeze %dma_start3A_74 : memref<1x128xi32, #tpu.memory_space<vmem>> -> memref<128xi32, #tpu.memory_space<vmem>>
          %dma_start3A_76 = arith.constant 0 : i32
          %dma_start3A_77 = arith.constant 0 : i32
          %dma_start3A_78 = tpu.memref_slice %arg2[%dma_start3A_76, %dma_start3A_77] : memref<20000x128xf32, #tpu.memory_space<hbm>> -> memref<20000x128xf32, #tpu.memory_space<hbm>>
          tpu.enqueue_indirect_dma source(%dma_start3A_78 : memref<20000x128xf32, #tpu.memory_space<hbm>>) target(%arg9 : memref<128x128xf32, #tpu.memory_space<vmem>>) offsets(%dma_start3A_75 : memref<128xi32, #tpu.memory_space<vmem>>) semaphore(%arg12 : memref<!tpu.dma_semaphore, #tpu.memory_space<semaphore_mem>>)
        } else {
        }
        %add3A_61 = arith.constant 1 : i32
        %add3A_62 = arith.addi %add3A_43, %add3A_61 : i32
        %dma_wait3A_63 = arith.constant 0 : i32
        %dma_wait3A_64 = tpu.memref_slice %arg7[%add3A_62, %dma_wait3A_63] : memref<40x128xi32, #tpu.memory_space<vmem>> -> memref<1x128xi32, #tpu.memory_space<vmem>>
        %dma_wait3A_65 = tpu.memref_squeeze %dma_wait3A_64 : memref<1x128xi32, #tpu.memory_space<vmem>> -> memref<128xi32, #tpu.memory_space<vmem>>
        %dma_wait3A_66 = arith.constant 0 : i32
        %dma_wait3A_67 = arith.constant 0 : i32
        %dma_wait3A_68 = tpu.memref_slice %arg2[%dma_wait3A_66, %dma_wait3A_67] : memref<20000x128xf32, #tpu.memory_space<hbm>> -> memref<20000x128xf32, #tpu.memory_space<hbm>>
        tpu.wait_indirect_dma semaphore(%arg13 : memref<!tpu.dma_semaphore, #tpu.memory_space<semaphore_mem>>) src(%dma_wait3A_68 : memref<20000x128xf32, #tpu.memory_space<hbm>>) dst(%arg10 : memref<128x128xf32, #tpu.memory_space<vmem>>)
        %add3A_69 = arith.constant 1 : i32
        %add3A_70 = arith.addi %add3A_43, %add3A_69 : i32
        "tpu.region"() ({
          %run_scoped3A = tpu.sem_alloc : memref<!tpu.dma_semaphore, #tpu.memory_space<semaphore_mem>>
          %dma_start3A_71 = arith.constant 0 : i32
          %dma_start3A_72 = tpu.memref_slice %arg8[%add3A_70, %dma_start3A_71] : memref<40x128xi32, #tpu.memory_space<vmem>> -> memref<1x128xi32, #tpu.memory_space<vmem>>
          %dma_start3A_73 = tpu.memref_squeeze %dma_start3A_72 : memref<1x128xi32, #tpu.memory_space<vmem>> -> memref<128xi32, #tpu.memory_space<vmem>>
          %dma_start3A_74 = arith.constant 0 : i32
          %dma_start3A_75 = arith.constant 0 : i32
          %dma_start3A_76 = tpu.memref_slice %arg11[%dma_start3A_74, %dma_start3A_75] : memref<10112x128xf32, #tpu.memory_space<vmem_shared>> -> memref<10112x128xf32, #tpu.memory_space<vmem_shared>>
          tpu.enqueue_indirect_dma source(%arg10 : memref<128x128xf32, #tpu.memory_space<vmem>>) target(%dma_start3A_76 : memref<10112x128xf32, #tpu.memory_space<vmem_shared>>) offsets(%dma_start3A_73 : memref<128xi32, #tpu.memory_space<vmem>>) semaphore(%run_scoped3A : memref<!tpu.dma_semaphore, #tpu.memory_space<semaphore_mem>>) {add = true}
          %dma_wait3A_77 = arith.constant 0 : i32
          %dma_wait3A_78 = tpu.memref_slice %arg8[%add3A_70, %dma_wait3A_77] : memref<40x128xi32, #tpu.memory_space<vmem>> -> memref<1x128xi32, #tpu.memory_space<vmem>>
          %dma_wait3A_79 = tpu.memref_squeeze %dma_wait3A_78 : memref<1x128xi32, #tpu.memory_space<vmem>> -> memref<128xi32, #tpu.memory_space<vmem>>
          %dma_wait3A_80 = arith.constant 0 : i32
          %dma_wait3A_81 = arith.constant 0 : i32
          %dma_wait3A_82 = tpu.memref_slice %arg11[%dma_wait3A_80, %dma_wait3A_81] : memref<10112x128xf32, #tpu.memory_space<vmem_shared>> -> memref<10112x128xf32, #tpu.memory_space<vmem_shared>>
          tpu.wait_indirect_dma semaphore(%run_scoped3A : memref<!tpu.dma_semaphore, #tpu.memory_space<semaphore_mem>>) src(%arg10 : memref<128x128xf32, #tpu.memory_space<vmem>>) dst(%dma_wait3A_82 : memref<10112x128xf32, #tpu.memory_space<vmem_shared>>)
          tpu.yield
        }) : () -> ()
      }
      %scan3A_38 = arith.constant 20 : i32
    }
    %scan3A_8 = arith.constant 4 : i32
    %barrier3A_9 = arith.constant 0 : index
    tpu.barrier barrier_id(%barrier3A_9)
    %mul3A_10 = arith.constant 632 : i32
    %mul3A_11 = arith.muli %arg1, %mul3A_10 : i32
    %mul3A_12 = arith.constant 10112 : i32
    %mul3A_13 = arith.muli %arg0, %mul3A_12 : i32
    %mul3A_14 = arith.constant 632 : i32
    %mul3A_15 = arith.muli %arg1, %mul3A_14 : i32
    %add3A_16 = arith.addi %mul3A_13, %mul3A_15 : i32
    "tpu.region"() ({
      %run_scoped3A = tpu.sem_alloc : memref<!tpu.dma_semaphore, #tpu.memory_space<semaphore_mem>>
      %dma_start3A = arith.constant 0 : i32
      %dma_start3A_17 = tpu.memref_slice %arg6[%add3A_16, %dma_start3A] : memref<20224x128xf32, #tpu.memory_space<hbm>> -> memref<632x128xf32, #tpu.memory_space<hbm>>
      %dma_start3A_18 = arith.constant 0 : i32
      %dma_start3A_19 = tpu.memref_slice %arg11[%mul3A_11, %dma_start3A_18] : memref<10112x128xf32, #tpu.memory_space<vmem_shared>> -> memref<632x128xf32, #tpu.memory_space<vmem_shared>>
      tpu.enqueue_dma source(%dma_start3A_19 : memref<632x128xf32, #tpu.memory_space<vmem_shared>>) target(%dma_start3A_17 : memref<632x128xf32, #tpu.memory_space<hbm>>) target_semaphore(%run_scoped3A : memref<!tpu.dma_semaphore, #tpu.memory_space<semaphore_mem>>)
      %dma_wait3A = arith.constant 0 : i32
      %dma_wait3A_20 = tpu.memref_slice %arg6[%add3A_16, %dma_wait3A] : memref<20224x128xf32, #tpu.memory_space<hbm>> -> memref<632x128xf32, #tpu.memory_space<hbm>>
      %dma_wait3A_21 = arith.constant 0 : i32
      %dma_wait3A_22 = tpu.memref_slice %arg11[%mul3A_11, %dma_wait3A_21] : memref<10112x128xf32, #tpu.memory_space<vmem_shared>> -> memref<632x128xf32, #tpu.memory_space<vmem_shared>>
      tpu.wait_dma2 semaphore(%run_scoped3A : memref<!tpu.dma_semaphore, #tpu.memory_space<semaphore_mem>>) src(%dma_wait3A_22 : memref<632x128xf32, #tpu.memory_space<vmem_shared>>) dst(%dma_wait3A_20 : memref<632x128xf32, #tpu.memory_space<hbm>>)
      tpu.yield
    }) : () -> ()
    return
  }
}

#map = affine_map<(d0, d1) -> (0, 0)>
module attributes {stable_mosaic.version = 14 : i64} {
  func.func @_sc_agg(%arg0: i32, %arg1: i32, %arg2: memref<20000x128xf32, #tpu.memory_space<hbm>>, %arg3: memref<5120x128xi32, #tpu.memory_space<hbm>>, %arg4: memref<5120x128xi32, #tpu.memory_space<hbm>>, %arg5: memref<632x128xf32, #tpu.memory_space<hbm>>, %arg6: memref<20224x128xf32, #tpu.memory_space<hbm>>, %arg7: memref<40x128xi32, #tpu.memory_space<vmem>>, %arg8: memref<40x128xi32, #tpu.memory_space<vmem>>, %arg9: memref<128x128xf32, #tpu.memory_space<vmem>>, %arg10: memref<128x128xf32, #tpu.memory_space<vmem>>, %arg11: memref<10112x128xf32, #tpu.memory_space<vmem_shared>>, %arg12: memref<!tpu.dma_semaphore, #tpu.memory_space<semaphore_mem>>, %arg13: memref<!tpu.dma_semaphore, #tpu.memory_space<semaphore_mem>>) attributes {dimension_semantics = [#tpu.dimension_semantics<core_parallel>, #tpu.dimension_semantics<subcore_parallel>], iteration_bounds = array<i64: 2, 16>, scalar_prefetch = 0 : i64, scratch_operands = 7 : i64, tpu.core_type = #tpu.core_type<sc_vector_subcore>, window_params = [{transform_indices = #map}, {transform_indices = #map}, {transform_indices = #map}, {transform_indices = #map}, {transform_indices = #map}]} {
    %mul3A = arith.constant 16 : i32
    %mul3A_0 = arith.muli %arg0, %mul3A : i32
    %add3A = arith.addi %mul3A_0, %arg1 : i32
    %mul3A_1 = arith.constant 160 : i32
    %mul3A_2 = arith.muli %add3A, %mul3A_1 : i32
    %mul3A_3 = arith.constant 632 : i32
    %mul3A_4 = arith.muli %arg1, %mul3A_3 : i32
    "tpu.region"() ({
      %run_scoped3A = tpu.sem_alloc : memref<!tpu.dma_semaphore, #tpu.memory_space<semaphore_mem>>
      %dma_start3A = arith.constant 0 : i32
      %dma_start3A_17 = tpu.memref_slice %arg11[%mul3A_4, %dma_start3A] : memref<10112x128xf32, #tpu.memory_space<vmem_shared>> -> memref<632x128xf32, #tpu.memory_space<vmem_shared>>
      tpu.enqueue_dma source(%arg5 : memref<632x128xf32, #tpu.memory_space<hbm>>) target(%dma_start3A_17 : memref<632x128xf32, #tpu.memory_space<vmem_shared>>) target_semaphore(%run_scoped3A : memref<!tpu.dma_semaphore, #tpu.memory_space<semaphore_mem>>)
      %dma_wait3A = arith.constant 0 : i32
      %dma_wait3A_18 = tpu.memref_slice %arg11[%mul3A_4, %dma_wait3A] : memref<10112x128xf32, #tpu.memory_space<vmem_shared>> -> memref<632x128xf32, #tpu.memory_space<vmem_shared>>
      tpu.wait_dma2 semaphore(%run_scoped3A : memref<!tpu.dma_semaphore, #tpu.memory_space<semaphore_mem>>) src(%arg5 : memref<632x128xf32, #tpu.memory_space<hbm>>) dst(%dma_wait3A_18 : memref<632x128xf32, #tpu.memory_space<vmem_shared>>)
      tpu.yield
    }) : () -> ()
    %barrier3A = arith.constant 0 : index
    tpu.barrier barrier_id(%barrier3A)
    %scan3A = arith.constant 0 : i32
    %scan3A_5 = arith.constant 4 : i32
    %scan3A_6 = arith.addi %scan3A, %scan3A_5 : i32
    %scan3A_7 = arith.constant 1 : i32
    scf.for %scan3A_17 = %scan3A to %scan3A_6 step %scan3A_7  : i32 {
      %mul3A_18 = arith.constant 1 : i32
      %mul3A_19 = arith.muli %scan3A_17, %mul3A_18 : i32
      %add3A_20 = arith.constant 0 : i32
      %add3A_21 = arith.addi %add3A_20, %mul3A_19 : i32
      %mul3A_22 = arith.constant 40 : i32
      %mul3A_23 = arith.muli %add3A_21, %mul3A_22 : i32
      %add3A_24 = arith.addi %mul3A_2, %mul3A_23 : i32
      "tpu.region"() ({
        %run_scoped3A = tpu.sem_alloc : memref<!tpu.dma_semaphore, #tpu.memory_space<semaphore_mem>>
        %dma_start3A_39 = arith.constant 0 : i32
        %dma_start3A_40 = tpu.memref_slice %arg3[%add3A_24, %dma_start3A_39] : memref<5120x128xi32, #tpu.memory_space<hbm>> -> memref<40x128xi32, #tpu.memory_space<hbm>>
        %dma_start3A_41 = arith.constant 0 : i32
        %dma_start3A_42 = tpu.memref_slice %arg3[%add3A_24, %dma_start3A_41] : memref<5120x128xi32, #tpu.memory_space<hbm>> -> memref<40x128xi32, #tpu.memory_space<hbm>>
        tpu.enqueue_dma source(%dma_start3A_42 : memref<40x128xi32, #tpu.memory_space<hbm>>) target(%arg7 : memref<40x128xi32, #tpu.memory_space<vmem>>) target_semaphore(%run_scoped3A : memref<!tpu.dma_semaphore, #tpu.memory_space<semaphore_mem>>)
        %dma_wait3A = arith.constant 0 : i32
        %dma_wait3A_43 = tpu.memref_slice %arg3[%add3A_24, %dma_wait3A] : memref<5120x128xi32, #tpu.memory_space<hbm>> -> memref<40x128xi32, #tpu.memory_space<hbm>>
        %dma_wait3A_44 = arith.constant 0 : i32
        %dma_wait3A_45 = tpu.memref_slice %arg3[%add3A_24, %dma_wait3A_44] : memref<5120x128xi32, #tpu.memory_space<hbm>> -> memref<40x128xi32, #tpu.memory_space<hbm>>
        tpu.wait_dma2 semaphore(%run_scoped3A : memref<!tpu.dma_semaphore, #tpu.memory_space<semaphore_mem>>) src(%dma_wait3A_45 : memref<40x128xi32, #tpu.memory_space<hbm>>) dst(%arg7 : memref<40x128xi32, #tpu.memory_space<vmem>>)
        tpu.yield
      }) : () -> ()
      %mul3A_25 = arith.constant 40 : i32
      %mul3A_26 = arith.muli %add3A_21, %mul3A_25 : i32
      %add3A_27 = arith.addi %mul3A_2, %mul3A_26 : i32
      "tpu.region"() ({
        %run_scoped3A = tpu.sem_alloc : memref<!tpu.dma_semaphore, #tpu.memory_space<semaphore_mem>>
        %dma_start3A_39 = arith.constant 0 : i32
        %dma_start3A_40 = tpu.memref_slice %arg4[%add3A_27, %dma_start3A_39] : memref<5120x128xi32, #tpu.memory_space<hbm>> -> memref<40x128xi32, #tpu.memory_space<hbm>>
        %dma_start3A_41 = arith.constant 0 : i32
        %dma_start3A_42 = tpu.memref_slice %arg4[%add3A_27, %dma_start3A_41] : memref<5120x128xi32, #tpu.memory_space<hbm>> -> memref<40x128xi32, #tpu.memory_space<hbm>>
        tpu.enqueue_dma source(%dma_start3A_42 : memref<40x128xi32, #tpu.memory_space<hbm>>) target(%arg8 : memref<40x128xi32, #tpu.memory_space<vmem>>) target_semaphore(%run_scoped3A : memref<!tpu.dma_semaphore, #tpu.memory_space<semaphore_mem>>)
        %dma_wait3A = arith.constant 0 : i32
        %dma_wait3A_43 = tpu.memref_slice %arg4[%add3A_27, %dma_wait3A] : memref<5120x128xi32, #tpu.memory_space<hbm>> -> memref<40x128xi32, #tpu.memory_space<hbm>>
        %dma_wait3A_44 = arith.constant 0 : i32
        %dma_wait3A_45 = tpu.memref_slice %arg4[%add3A_27, %dma_wait3A_44] : memref<5120x128xi32, #tpu.memory_space<hbm>> -> memref<40x128xi32, #tpu.memory_space<hbm>>
        tpu.wait_dma2 semaphore(%run_scoped3A : memref<!tpu.dma_semaphore, #tpu.memory_space<semaphore_mem>>) src(%dma_wait3A_45 : memref<40x128xi32, #tpu.memory_space<hbm>>) dst(%arg8 : memref<40x128xi32, #tpu.memory_space<vmem>>)
        tpu.yield
      }) : () -> ()
      %dma_start3A = arith.constant 0 : i32
      %dma_start3A_28 = arith.constant 0 : i32
      %dma_start3A_29 = tpu.memref_slice %arg7[%dma_start3A, %dma_start3A_28] : memref<40x128xi32, #tpu.memory_space<vmem>> -> memref<1x128xi32, #tpu.memory_space<vmem>>
      %dma_start3A_30 = tpu.memref_squeeze %dma_start3A_29 : memref<1x128xi32, #tpu.memory_space<vmem>> -> memref<128xi32, #tpu.memory_space<vmem>>
      %dma_start3A_31 = arith.constant 0 : i32
      %dma_start3A_32 = arith.constant 0 : i32
      %dma_start3A_33 = tpu.memref_slice %arg2[%dma_start3A_31, %dma_start3A_32] : memref<20000x128xf32, #tpu.memory_space<hbm>> -> memref<20000x128xf32, #tpu.memory_space<hbm>>
      tpu.enqueue_indirect_dma source(%dma_start3A_33 : memref<20000x128xf32, #tpu.memory_space<hbm>>) target(%arg9 : memref<128x128xf32, #tpu.memory_space<vmem>>) offsets(%dma_start3A_30 : memref<128xi32, #tpu.memory_space<vmem>>) semaphore(%arg12 : memref<!tpu.dma_semaphore, #tpu.memory_space<semaphore_mem>>)
      %scan3A_34 = arith.constant 0 : i32
      %scan3A_35 = arith.constant 20 : i32
      %scan3A_36 = arith.addi %scan3A_34, %scan3A_35 : i32
      %scan3A_37 = arith.constant 1 : i32
      scf.for %scan3A_39 = %scan3A_34 to %scan3A_36 step %scan3A_37  : i32 {
        %mul3A_40 = arith.constant 2 : i32
        %mul3A_41 = arith.muli %scan3A_39, %mul3A_40 : i32
        %add3A_42 = arith.constant 0 : i32
        %add3A_43 = arith.addi %add3A_42, %mul3A_41 : i32
        %add3A_44 = arith.constant 1 : i32
        %add3A_45 = arith.addi %add3A_43, %add3A_44 : i32
        %dma_start3A_46 = arith.constant 0 : i32
        %dma_start3A_47 = tpu.memref_slice %arg7[%add3A_45, %dma_start3A_46] : memref<40x128xi32, #tpu.memory_space<vmem>> -> memref<1x128xi32, #tpu.memory_space<vmem>>
        %dma_start3A_48 = tpu.memref_squeeze %dma_start3A_47 : memref<1x128xi32, #tpu.memory_space<vmem>> -> memref<128xi32, #tpu.memory_space<vmem>>
        %dma_start3A_49 = arith.constant 0 : i32
        %dma_start3A_50 = arith.constant 0 : i32
        %dma_start3A_51 = tpu.memref_slice %arg2[%dma_start3A_49, %dma_start3A_50] : memref<20000x128xf32, #tpu.memory_space<hbm>> -> memref<20000x128xf32, #tpu.memory_space<hbm>>
        tpu.enqueue_indirect_dma source(%dma_start3A_51 : memref<20000x128xf32, #tpu.memory_space<hbm>>) target(%arg10 : memref<128x128xf32, #tpu.memory_space<vmem>>) offsets(%dma_start3A_48 : memref<128xi32, #tpu.memory_space<vmem>>) semaphore(%arg13 : memref<!tpu.dma_semaphore, #tpu.memory_space<semaphore_mem>>)
        %dma_wait3A = arith.constant 0 : i32
        %dma_wait3A_52 = tpu.memref_slice %arg7[%add3A_43, %dma_wait3A] : memref<40x128xi32, #tpu.memory_space<vmem>> -> memref<1x128xi32, #tpu.memory_space<vmem>>
        %dma_wait3A_53 = tpu.memref_squeeze %dma_wait3A_52 : memref<1x128xi32, #tpu.memory_space<vmem>> -> memref<128xi32, #tpu.memory_space<vmem>>
        %dma_wait3A_54 = arith.constant 0 : i32
        %dma_wait3A_55 = arith.constant 0 : i32
        %dma_wait3A_56 = tpu.memref_slice %arg2[%dma_wait3A_54, %dma_wait3A_55] : memref<20000x128xf32, #tpu.memory_space<hbm>> -> memref<20000x128xf32, #tpu.memory_space<hbm>>
        tpu.wait_indirect_dma semaphore(%arg12 : memref<!tpu.dma_semaphore, #tpu.memory_space<semaphore_mem>>) src(%dma_wait3A_56 : memref<20000x128xf32, #tpu.memory_space<hbm>>) dst(%arg9 : memref<128x128xf32, #tpu.memory_space<vmem>>)
        "tpu.region"() ({
          %run_scoped3A = tpu.sem_alloc : memref<!tpu.dma_semaphore, #tpu.memory_space<semaphore_mem>>
          %dma_start3A_71 = arith.constant 0 : i32
          %dma_start3A_72 = tpu.memref_slice %arg8[%add3A_43, %dma_start3A_71] : memref<40x128xi32, #tpu.memory_space<vmem>> -> memref<1x128xi32, #tpu.memory_space<vmem>>
          %dma_start3A_73 = tpu.memref_squeeze %dma_start3A_72 : memref<1x128xi32, #tpu.memory_space<vmem>> -> memref<128xi32, #tpu.memory_space<vmem>>
          %dma_start3A_74 = arith.constant 0 : i32
          %dma_start3A_75 = arith.constant 0 : i32
          %dma_start3A_76 = tpu.memref_slice %arg11[%dma_start3A_74, %dma_start3A_75] : memref<10112x128xf32, #tpu.memory_space<vmem_shared>> -> memref<10112x128xf32, #tpu.memory_space<vmem_shared>>
          tpu.enqueue_indirect_dma source(%arg9 : memref<128x128xf32, #tpu.memory_space<vmem>>) target(%dma_start3A_76 : memref<10112x128xf32, #tpu.memory_space<vmem_shared>>) offsets(%dma_start3A_73 : memref<128xi32, #tpu.memory_space<vmem>>) semaphore(%run_scoped3A : memref<!tpu.dma_semaphore, #tpu.memory_space<semaphore_mem>>) {add = true}
          %dma_wait3A_77 = arith.constant 0 : i32
          %dma_wait3A_78 = tpu.memref_slice %arg8[%add3A_43, %dma_wait3A_77] : memref<40x128xi32, #tpu.memory_space<vmem>> -> memref<1x128xi32, #tpu.memory_space<vmem>>
          %dma_wait3A_79 = tpu.memref_squeeze %dma_wait3A_78 : memref<1x128xi32, #tpu.memory_space<vmem>> -> memref<128xi32, #tpu.memory_space<vmem>>
          %dma_wait3A_80 = arith.constant 0 : i32
          %dma_wait3A_81 = arith.constant 0 : i32
          %dma_wait3A_82 = tpu.memref_slice %arg11[%dma_wait3A_80, %dma_wait3A_81] : memref<10112x128xf32, #tpu.memory_space<vmem_shared>> -> memref<10112x128xf32, #tpu.memory_space<vmem_shared>>
          tpu.wait_indirect_dma semaphore(%run_scoped3A : memref<!tpu.dma_semaphore, #tpu.memory_space<semaphore_mem>>) src(%arg9 : memref<128x128xf32, #tpu.memory_space<vmem>>) dst(%dma_wait3A_82 : memref<10112x128xf32, #tpu.memory_space<vmem_shared>>)
          tpu.yield
        }) : () -> ()
        %add3A_57 = arith.constant 2 : i32
        %add3A_58 = arith.addi %add3A_43, %add3A_57 : i32
        %lt3A = arith.constant 40 : i32
        %lt3A_59 = arith.cmpi slt, %add3A_58, %lt3A : i32
        %convert_element_type3A = arith.extui %lt3A_59 : i1 to i32
        %cond3A = arith.constant 0 : i32
        %cond3A_60 = arith.cmpi ne, %convert_element_type3A, %cond3A : i32
        scf.if %cond3A_60 {
          %add3A_71 = arith.constant 2 : i32
          %add3A_72 = arith.addi %add3A_43, %add3A_71 : i32
          %dma_start3A_73 = arith.constant 0 : i32
          %dma_start3A_74 = tpu.memref_slice %arg7[%add3A_72, %dma_start3A_73] : memref<40x128xi32, #tpu.memory_space<vmem>> -> memref<1x128xi32, #tpu.memory_space<vmem>>
          %dma_start3A_75 = tpu.memref_squeeze %dma_start3A_74 : memref<1x128xi32, #tpu.memory_space<vmem>> -> memref<128xi32, #tpu.memory_space<vmem>>
          %dma_start3A_76 = arith.constant 0 : i32
          %dma_start3A_77 = arith.constant 0 : i32
          %dma_start3A_78 = tpu.memref_slice %arg2[%dma_start3A_76, %dma_start3A_77] : memref<20000x128xf32, #tpu.memory_space<hbm>> -> memref<20000x128xf32, #tpu.memory_space<hbm>>
          tpu.enqueue_indirect_dma source(%dma_start3A_78 : memref<20000x128xf32, #tpu.memory_space<hbm>>) target(%arg9 : memref<128x128xf32, #tpu.memory_space<vmem>>) offsets(%dma_start3A_75 : memref<128xi32, #tpu.memory_space<vmem>>) semaphore(%arg12 : memref<!tpu.dma_semaphore, #tpu.memory_space<semaphore_mem>>)
        } else {
        }
        %add3A_61 = arith.constant 1 : i32
        %add3A_62 = arith.addi %add3A_43, %add3A_61 : i32
        %dma_wait3A_63 = arith.constant 0 : i32
        %dma_wait3A_64 = tpu.memref_slice %arg7[%add3A_62, %dma_wait3A_63] : memref<40x128xi32, #tpu.memory_space<vmem>> -> memref<1x128xi32, #tpu.memory_space<vmem>>
        %dma_wait3A_65 = tpu.memref_squeeze %dma_wait3A_64 : memref<1x128xi32, #tpu.memory_space<vmem>> -> memref<128xi32, #tpu.memory_space<vmem>>
        %dma_wait3A_66 = arith.constant 0 : i32
        %dma_wait3A_67 = arith.constant 0 : i32
        %dma_wait3A_68 = tpu.memref_slice %arg2[%dma_wait3A_66, %dma_wait3A_67] : memref<20000x128xf32, #tpu.memory_space<hbm>> -> memref<20000x128xf32, #tpu.memory_space<hbm>>
        tpu.wait_indirect_dma semaphore(%arg13 : memref<!tpu.dma_semaphore, #tpu.memory_space<semaphore_mem>>) src(%dma_wait3A_68 : memref<20000x128xf32, #tpu.memory_space<hbm>>) dst(%arg10 : memref<128x128xf32, #tpu.memory_space<vmem>>)
        %add3A_69 = arith.constant 1 : i32
        %add3A_70 = arith.addi %add3A_43, %add3A_69 : i32
        "tpu.region"() ({
          %run_scoped3A = tpu.sem_alloc : memref<!tpu.dma_semaphore, #tpu.memory_space<semaphore_mem>>
          %dma_start3A_71 = arith.constant 0 : i32
          %dma_start3A_72 = tpu.memref_slice %arg8[%add3A_70, %dma_start3A_71] : memref<40x128xi32, #tpu.memory_space<vmem>> -> memref<1x128xi32, #tpu.memory_space<vmem>>
          %dma_start3A_73 = tpu.memref_squeeze %dma_start3A_72 : memref<1x128xi32, #tpu.memory_space<vmem>> -> memref<128xi32, #tpu.memory_space<vmem>>
          %dma_start3A_74 = arith.constant 0 : i32
          %dma_start3A_75 = arith.constant 0 : i32
          %dma_start3A_76 = tpu.memref_slice %arg11[%dma_start3A_74, %dma_start3A_75] : memref<10112x128xf32, #tpu.memory_space<vmem_shared>> -> memref<10112x128xf32, #tpu.memory_space<vmem_shared>>
          tpu.enqueue_indirect_dma source(%arg10 : memref<128x128xf32, #tpu.memory_space<vmem>>) target(%dma_start3A_76 : memref<10112x128xf32, #tpu.memory_space<vmem_shared>>) offsets(%dma_start3A_73 : memref<128xi32, #tpu.memory_space<vmem>>) semaphore(%run_scoped3A : memref<!tpu.dma_semaphore, #tpu.memory_space<semaphore_mem>>) {add = true}
          %dma_wait3A_77 = arith.constant 0 : i32
          %dma_wait3A_78 = tpu.memref_slice %arg8[%add3A_70, %dma_wait3A_77] : memref<40x128xi32, #tpu.memory_space<vmem>> -> memref<1x128xi32, #tpu.memory_space<vmem>>
          %dma_wait3A_79 = tpu.memref_squeeze %dma_wait3A_78 : memref<1x128xi32, #tpu.memory_space<vmem>> -> memref<128xi32, #tpu.memory_space<vmem>>
          %dma_wait3A_80 = arith.constant 0 : i32
          %dma_wait3A_81 = arith.constant 0 : i32
          %dma_wait3A_82 = tpu.memref_slice %arg11[%dma_wait3A_80, %dma_wait3A_81] : memref<10112x128xf32, #tpu.memory_space<vmem_shared>> -> memref<10112x128xf32, #tpu.memory_space<vmem_shared>>
          tpu.wait_indirect_dma semaphore(%run_scoped3A : memref<!tpu.dma_semaphore, #tpu.memory_space<semaphore_mem>>) src(%arg10 : memref<128x128xf32, #tpu.memory_space<vmem>>) dst(%dma_wait3A_82 : memref<10112x128xf32, #tpu.memory_space<vmem_shared>>)
          tpu.yield
        }) : () -> ()
      }
      %scan3A_38 = arith.constant 20 : i32
    }
    %scan3A_8 = arith.constant 4 : i32
    %barrier3A_9 = arith.constant 0 : index
    tpu.barrier barrier_id(%barrier3A_9)
    %mul3A_10 = arith.constant 632 : i32
    %mul3A_11 = arith.muli %arg1, %mul3A_10 : i32
    %mul3A_12 = arith.constant 10112 : i32
    %mul3A_13 = arith.muli %arg0, %mul3A_12 : i32
    %mul3A_14 = arith.constant 632 : i32
    %mul3A_15 = arith.muli %arg1, %mul3A_14 : i32
    %add3A_16 = arith.addi %mul3A_13, %mul3A_15 : i32
    "tpu.region"() ({
      %run_scoped3A = tpu.sem_alloc : memref<!tpu.dma_semaphore, #tpu.memory_space<semaphore_mem>>
      %dma_start3A = arith.constant 0 : i32
      %dma_start3A_17 = tpu.memref_slice %arg6[%add3A_16, %dma_start3A] : memref<20224x128xf32, #tpu.memory_space<hbm>> -> memref<632x128xf32, #tpu.memory_space<hbm>>
      %dma_start3A_18 = arith.constant 0 : i32
      %dma_start3A_19 = tpu.memref_slice %arg11[%mul3A_11, %dma_start3A_18] : memref<10112x128xf32, #tpu.memory_space<vmem_shared>> -> memref<632x128xf32, #tpu.memory_space<vmem_shared>>
      tpu.enqueue_dma source(%dma_start3A_19 : memref<632x128xf32, #tpu.memory_space<vmem_shared>>) target(%dma_start3A_17 : memref<632x128xf32, #tpu.memory_space<hbm>>) target_semaphore(%run_scoped3A : memref<!tpu.dma_semaphore, #tpu.memory_space<semaphore_mem>>)
      %dma_wait3A = arith.constant 0 : i32
      %dma_wait3A_20 = tpu.memref_slice %arg6[%add3A_16, %dma_wait3A] : memref<20224x128xf32, #tpu.memory_space<hbm>> -> memref<632x128xf32, #tpu.memory_space<hbm>>
      %dma_wait3A_21 = arith.constant 0 : i32
      %dma_wait3A_22 = tpu.memref_slice %arg11[%mul3A_11, %dma_wait3A_21] : memref<10112x128xf32, #tpu.memory_space<vmem_shared>> -> memref<632x128xf32, #tpu.memory_space<vmem_shared>>
      tpu.wait_dma2 semaphore(%run_scoped3A : memref<!tpu.dma_semaphore, #tpu.memory_space<semaphore_mem>>) src(%dma_wait3A_22 : memref<632x128xf32, #tpu.memory_space<vmem_shared>>) dst(%dma_wait3A_20 : memref<632x128xf32, #tpu.memory_space<hbm>>)
      tpu.yield
    }) : () -> ()
    return
  }
}

#map = affine_map<(d0, d1) -> (0, 0)>
module attributes {stable_mosaic.version = 14 : i64} {
  func.func @_sc_count(%arg0: i32, %arg1: i32, %arg2: memref<5120x128xi32, #tpu.memory_space<hbm>>, %arg3: memref<128x128xf32, #tpu.memory_space<hbm>>, %arg4: memref<632x128xf32, #tpu.memory_space<hbm>>, %arg5: memref<20224x128xf32, #tpu.memory_space<hbm>>, %arg6: memref<160x128xi32, #tpu.memory_space<vmem>>, %arg7: memref<128x128xf32, #tpu.memory_space<vmem>>, %arg8: memref<10112x128xf32, #tpu.memory_space<vmem_shared>>) attributes {dimension_semantics = [#tpu.dimension_semantics<core_parallel>, #tpu.dimension_semantics<subcore_parallel>], iteration_bounds = array<i64: 2, 16>, scalar_prefetch = 0 : i64, scratch_operands = 3 : i64, tpu.core_type = #tpu.core_type<sc_vector_subcore>, window_params = [{transform_indices = #map}, {transform_indices = #map}, {transform_indices = #map}, {transform_indices = #map}]} {
    %mul3A = arith.constant 16 : i32
    %mul3A_0 = arith.muli %arg0, %mul3A : i32
    %add3A = arith.addi %mul3A_0, %arg1 : i32
    %mul3A_1 = arith.constant 160 : i32
    %mul3A_2 = arith.muli %add3A, %mul3A_1 : i32
    "tpu.region"() ({
      %run_scoped3A = tpu.sem_alloc : memref<!tpu.dma_semaphore, #tpu.memory_space<semaphore_mem>>
      %dma_start3A = arith.constant 0 : i32
      %dma_start3A_17 = tpu.memref_slice %arg2[%mul3A_2, %dma_start3A] : memref<5120x128xi32, #tpu.memory_space<hbm>> -> memref<160x128xi32, #tpu.memory_space<hbm>>
      %dma_start3A_18 = arith.constant 0 : i32
      %dma_start3A_19 = tpu.memref_slice %arg2[%mul3A_2, %dma_start3A_18] : memref<5120x128xi32, #tpu.memory_space<hbm>> -> memref<160x128xi32, #tpu.memory_space<hbm>>
      tpu.enqueue_dma source(%dma_start3A_19 : memref<160x128xi32, #tpu.memory_space<hbm>>) target(%arg6 : memref<160x128xi32, #tpu.memory_space<vmem>>) target_semaphore(%run_scoped3A : memref<!tpu.dma_semaphore, #tpu.memory_space<semaphore_mem>>)
      %dma_wait3A = arith.constant 0 : i32
      %dma_wait3A_20 = tpu.memref_slice %arg2[%mul3A_2, %dma_wait3A] : memref<5120x128xi32, #tpu.memory_space<hbm>> -> memref<160x128xi32, #tpu.memory_space<hbm>>
      %dma_wait3A_21 = arith.constant 0 : i32
      %dma_wait3A_22 = tpu.memref_slice %arg2[%mul3A_2, %dma_wait3A_21] : memref<5120x128xi32, #tpu.memory_space<hbm>> -> memref<160x128xi32, #tpu.memory_space<hbm>>
      tpu.wait_dma2 semaphore(%run_scoped3A : memref<!tpu.dma_semaphore, #tpu.memory_space<semaphore_mem>>) src(%dma_wait3A_22 : memref<160x128xi32, #tpu.memory_space<hbm>>) dst(%arg6 : memref<160x128xi32, #tpu.memory_space<vmem>>)
      tpu.yield
    }) : () -> ()
    "tpu.region"() ({
      %run_scoped3A = tpu.sem_alloc : memref<!tpu.dma_semaphore, #tpu.memory_space<semaphore_mem>>
      tpu.enqueue_dma source(%arg3 : memref<128x128xf32, #tpu.memory_space<hbm>>) target(%arg7 : memref<128x128xf32, #tpu.memory_space<vmem>>) target_semaphore(%run_scoped3A : memref<!tpu.dma_semaphore, #tpu.memory_space<semaphore_mem>>)
      tpu.wait_dma2 semaphore(%run_scoped3A : memref<!tpu.dma_semaphore, #tpu.memory_space<semaphore_mem>>) src(%arg3 : memref<128x128xf32, #tpu.memory_space<hbm>>) dst(%arg7 : memref<128x128xf32, #tpu.memory_space<vmem>>)
      tpu.yield
    }) : () -> ()
    %mul3A_3 = arith.constant 632 : i32
    %mul3A_4 = arith.muli %arg1, %mul3A_3 : i32
    "tpu.region"() ({
      %run_scoped3A = tpu.sem_alloc : memref<!tpu.dma_semaphore, #tpu.memory_space<semaphore_mem>>
      %dma_start3A = arith.constant 0 : i32
      %dma_start3A_17 = tpu.memref_slice %arg8[%mul3A_4, %dma_start3A] : memref<10112x128xf32, #tpu.memory_space<vmem_shared>> -> memref<632x128xf32, #tpu.memory_space<vmem_shared>>
      tpu.enqueue_dma source(%arg4 : memref<632x128xf32, #tpu.memory_space<hbm>>) target(%dma_start3A_17 : memref<632x128xf32, #tpu.memory_space<vmem_shared>>) target_semaphore(%run_scoped3A : memref<!tpu.dma_semaphore, #tpu.memory_space<semaphore_mem>>)
      %dma_wait3A = arith.constant 0 : i32
      %dma_wait3A_18 = tpu.memref_slice %arg8[%mul3A_4, %dma_wait3A] : memref<10112x128xf32, #tpu.memory_space<vmem_shared>> -> memref<632x128xf32, #tpu.memory_space<vmem_shared>>
      tpu.wait_dma2 semaphore(%run_scoped3A : memref<!tpu.dma_semaphore, #tpu.memory_space<semaphore_mem>>) src(%arg4 : memref<632x128xf32, #tpu.memory_space<hbm>>) dst(%dma_wait3A_18 : memref<632x128xf32, #tpu.memory_space<vmem_shared>>)
      tpu.yield
    }) : () -> ()
    %barrier3A = arith.constant 0 : index
    tpu.barrier barrier_id(%barrier3A)
    %scan3A = arith.constant 0 : i32
    %scan3A_5 = arith.constant 160 : i32
    %scan3A_6 = arith.addi %scan3A, %scan3A_5 : i32
    %scan3A_7 = arith.constant 1 : i32
    scf.for %scan3A_17 = %scan3A to %scan3A_6 step %scan3A_7  : i32 {
      %mul3A_18 = arith.constant 1 : i32
      %mul3A_19 = arith.muli %scan3A_17, %mul3A_18 : i32
      %add3A_20 = arith.constant 0 : i32
      %add3A_21 = arith.addi %add3A_20, %mul3A_19 : i32
      "tpu.region"() ({
        %run_scoped3A = tpu.sem_alloc : memref<!tpu.dma_semaphore, #tpu.memory_space<semaphore_mem>>
        %dma_start3A = arith.constant 0 : i32
        %dma_start3A_22 = tpu.memref_slice %arg6[%add3A_21, %dma_start3A] : memref<160x128xi32, #tpu.memory_space<vmem>> -> memref<1x128xi32, #tpu.memory_space<vmem>>
        %dma_start3A_23 = tpu.memref_squeeze %dma_start3A_22 : memref<1x128xi32, #tpu.memory_space<vmem>> -> memref<128xi32, #tpu.memory_space<vmem>>
        %dma_start3A_24 = arith.constant 0 : i32
        %dma_start3A_25 = arith.constant 0 : i32
        %dma_start3A_26 = tpu.memref_slice %arg8[%dma_start3A_24, %dma_start3A_25] : memref<10112x128xf32, #tpu.memory_space<vmem_shared>> -> memref<10112x128xf32, #tpu.memory_space<vmem_shared>>
        tpu.enqueue_indirect_dma source(%arg7 : memref<128x128xf32, #tpu.memory_space<vmem>>) target(%dma_start3A_26 : memref<10112x128xf32, #tpu.memory_space<vmem_shared>>) offsets(%dma_start3A_23 : memref<128xi32, #tpu.memory_space<vmem>>) semaphore(%run_scoped3A : memref<!tpu.dma_semaphore, #tpu.memory_space<semaphore_mem>>) {add = true}
        %dma_wait3A = arith.constant 0 : i32
        %dma_wait3A_27 = tpu.memref_slice %arg6[%add3A_21, %dma_wait3A] : memref<160x128xi32, #tpu.memory_space<vmem>> -> memref<1x128xi32, #tpu.memory_space<vmem>>
        %dma_wait3A_28 = tpu.memref_squeeze %dma_wait3A_27 : memref<1x128xi32, #tpu.memory_space<vmem>> -> memref<128xi32, #tpu.memory_space<vmem>>
        %dma_wait3A_29 = arith.constant 0 : i32
        %dma_wait3A_30 = arith.constant 0 : i32
        %dma_wait3A_31 = tpu.memref_slice %arg8[%dma_wait3A_29, %dma_wait3A_30] : memref<10112x128xf32, #tpu.memory_space<vmem_shared>> -> memref<10112x128xf32, #tpu.memory_space<vmem_shared>>
        tpu.wait_indirect_dma semaphore(%run_scoped3A : memref<!tpu.dma_semaphore, #tpu.memory_space<semaphore_mem>>) src(%arg7 : memref<128x128xf32, #tpu.memory_space<vmem>>) dst(%dma_wait3A_31 : memref<10112x128xf32, #tpu.memory_space<vmem_shared>>)
        tpu.yield
      }) : () -> ()
    }
    %scan3A_8 = arith.constant 160 : i32
    %barrier3A_9 = arith.constant 0 : index
    tpu.barrier barrier_id(%barrier3A_9)
    %mul3A_10 = arith.constant 632 : i32
    %mul3A_11 = arith.muli %arg1, %mul3A_10 : i32
    %mul3A_12 = arith.constant 10112 : i32
    %mul3A_13 = arith.muli %arg0, %mul3A_12 : i32
    %mul3A_14 = arith.constant 632 : i32
    %mul3A_15 = arith.muli %arg1, %mul3A_14 : i32
    %add3A_16 = arith.addi %mul3A_13, %mul3A_15 : i32
    "tpu.region"() ({
      %run_scoped3A = tpu.sem_alloc : memref<!tpu.dma_semaphore, #tpu.memory_space<semaphore_mem>>
      %dma_start3A = arith.constant 0 : i32
      %dma_start3A_17 = tpu.memref_slice %arg5[%add3A_16, %dma_start3A] : memref<20224x128xf32, #tpu.memory_space<hbm>> -> memref<632x128xf32, #tpu.memory_space<hbm>>
      %dma_start3A_18 = arith.constant 0 : i32
      %dma_start3A_19 = tpu.memref_slice %arg8[%mul3A_11, %dma_start3A_18] : memref<10112x128xf32, #tpu.memory_space<vmem_shared>> -> memref<632x128xf32, #tpu.memory_space<vmem_shared>>
      tpu.enqueue_dma source(%dma_start3A_19 : memref<632x128xf32, #tpu.memory_space<vmem_shared>>) target(%dma_start3A_17 : memref<632x128xf32, #tpu.memory_space<hbm>>) target_semaphore(%run_scoped3A : memref<!tpu.dma_semaphore, #tpu.memory_space<semaphore_mem>>)
      %dma_wait3A = arith.constant 0 : i32
      %dma_wait3A_20 = tpu.memref_slice %arg5[%add3A_16, %dma_wait3A] : memref<20224x128xf32, #tpu.memory_space<hbm>> -> memref<632x128xf32, #tpu.memory_space<hbm>>
      %dma_wait3A_21 = arith.constant 0 : i32
      %dma_wait3A_22 = tpu.memref_slice %arg8[%mul3A_11, %dma_wait3A_21] : memref<10112x128xf32, #tpu.memory_space<vmem_shared>> -> memref<632x128xf32, #tpu.memory_space<vmem_shared>>
      tpu.wait_dma2 semaphore(%run_scoped3A : memref<!tpu.dma_semaphore, #tpu.memory_space<semaphore_mem>>) src(%dma_wait3A_22 : memref<632x128xf32, #tpu.memory_space<vmem_shared>>) dst(%dma_wait3A_20 : memref<632x128xf32, #tpu.memory_space<hbm>>)
      tpu.yield
    }) : () -> ()
    return
  }
}

module attributes {stable_mosaic.version = 14 : i64} {
  func.func @_proj_body(%arg0: memref<10000x128xf32, #tpu.memory_space<vmem>>, %arg1: memref<10000x128xf32, #tpu.memory_space<vmem>>, %arg2: memref<128x128xf32, #tpu.memory_space<vmem>>, %arg3: memref<128xf32, #tpu.memory_space<vmem>>, %arg4: memref<128x128xf32, #tpu.memory_space<vmem>>, %arg5: memref<128xf32, #tpu.memory_space<vmem>>, %arg6: memref<20000x128xf32, #tpu.memory_space<vmem>>) attributes {dimension_semantics = [], scalar_prefetch = 0 : i64, scratch_operands = 0 : i64, tpu.core_type = #tpu.core_type<tc>} {
    %get3A = arith.constant 0 : index
    %get3A_0 = arith.constant 0 : index
    %get3A_1 = vector.load %arg0[%get3A, %get3A_0] : memref<10000x128xf32, #tpu.memory_space<vmem>>, vector<10000x128xf32>
    %get3A_2 = arith.constant 0 : index
    %get3A_3 = arith.constant 0 : index
    %get3A_4 = vector.load %arg2[%get3A_2, %get3A_3] : memref<128x128xf32, #tpu.memory_space<vmem>>, vector<128x128xf32>
    %transpose3A = tpu.transpose %get3A_4, [1, 0] : vector<128x128xf32> -> vector<128x128xf32>
    %dot_general3A = arith.constant dense<0.000000e+00> : vector<10000x128xf32>
    %dot_general3A_5 = tpu.matmul %get3A_1, %transpose3A, %dot_general3A {dimension_numbers = #tpu.dot_dimension_numbers<[1], [0], [0], [1], [0, 0, 1, 1], [], []>, transpose_lhs_hint = false} : vector<10000x128xf32>, vector<128x128xf32>, vector<10000x128xf32> -> vector<10000x128xf32>
    %get3A_6 = arith.constant 0 : index
    %get3A_7 = vector.load %arg3[%get3A_6] : memref<128xf32, #tpu.memory_space<vmem>>, vector<128xf32>
    %broadcast_in_dim3A = vector.shape_cast %get3A_7 : vector<128xf32> to vector<1x128xf32>
    %add3A = vector.broadcast %broadcast_in_dim3A : vector<1x128xf32> to vector<10000x128xf32>
    %add3A_8 = arith.addf %dot_general3A_5, %add3A : vector<10000x128xf32>
    %swap3A = arith.constant 0 : index
    %swap3A_9 = arith.constant 0 : index
    %swap3A_10 = vector.load %arg6[%swap3A, %swap3A_9] : memref<20000x128xf32, #tpu.memory_space<vmem>>, vector<10000x128xf32>
    tpu.vector_store %arg6[%swap3A, %swap3A_9], %add3A_8 {strides = array<i32>} : memref<20000x128xf32, #tpu.memory_space<vmem>>, vector<10000x128xf32>,
    %get3A_11 = arith.constant 0 : index
    %get3A_12 = arith.constant 0 : index
    %get3A_13 = vector.load %arg1[%get3A_11, %get3A_12] : memref<10000x128xf32, #tpu.memory_space<vmem>>, vector<10000x128xf32>
    %get3A_14 = arith.constant 0 : index
    %get3A_15 = arith.constant 0 : index
    %get3A_16 = vector.load %arg4[%get3A_14, %get3A_15] : memref<128x128xf32, #tpu.memory_space<vmem>>, vector<128x128xf32>
    %transpose3A_17 = tpu.transpose %get3A_16, [1, 0] : vector<128x128xf32> -> vector<128x128xf32>
    %dot_general3A_18 = arith.constant dense<0.000000e+00> : vector<10000x128xf32>
    %dot_general3A_19 = tpu.matmul %get3A_13, %transpose3A_17, %dot_general3A_18 {dimension_numbers = #tpu.dot_dimension_numbers<[1], [0], [0], [1], [0, 0, 1, 1], [], []>, transpose_lhs_hint = false} : vector<10000x128xf32>, vector<128x128xf32>, vector<10000x128xf32> -> vector<10000x128xf32>
    %get3A_20 = arith.constant 0 : index
    %get3A_21 = vector.load %arg5[%get3A_20] : memref<128xf32, #tpu.memory_space<vmem>>, vector<128xf32>
    %broadcast_in_dim3A_22 = vector.shape_cast %get3A_21 : vector<128xf32> to vector<1x128xf32>
    %add3A_23 = vector.broadcast %broadcast_in_dim3A_22 : vector<1x128xf32> to vector<10000x128xf32>
    %add3A_24 = arith.addf %dot_general3A_19, %add3A_23 : vector<10000x128xf32>
    %swap3A_25 = arith.constant 10000 : index
    %swap3A_26 = arith.constant 0 : index
    %swap3A_27 = vector.load %arg6[%swap3A_25, %swap3A_26] : memref<20000x128xf32, #tpu.memory_space<vmem>>, vector<10000x128xf32>
    tpu.vector_store %arg6[%swap3A_25, %swap3A_26], %add3A_24 {strides = array<i32>} : memref<20000x128xf32, #tpu.memory_space<vmem>>, vector<10000x128xf32>,
    return
  }
}

module attributes {stable_mosaic.version = 14 : i64} {
  func.func @_post_body(%arg0: memref<20224x128xf32, #tpu.memory_space<vmem>>, %arg1: memref<20224x128xf32, #tpu.memory_space<vmem>>, %arg2: memref<20000x128xf32, #tpu.memory_space<vmem>>, %arg3: memref<128x128xf32, #tpu.memory_space<vmem>>, %arg4: memref<128xf32, #tpu.memory_space<vmem>>, %arg5: memref<128x128xf32, #tpu.memory_space<vmem>>, %arg6: memref<128x128xf32, #tpu.memory_space<vmem>>, %arg7: memref<128xf32, #tpu.memory_space<vmem>>, %arg8: memref<128x128xf32, #tpu.memory_space<vmem>>, %arg9: memref<128xf32, #tpu.memory_space<vmem>>, %arg10: memref<128xf32, #tpu.memory_space<vmem>>, %arg11: memref<128xf32, #tpu.memory_space<vmem>>, %arg12: memref<128xf32, #tpu.memory_space<vmem>>, %arg13: memref<20000x128xf32, #tpu.memory_space<vmem>>) attributes {dimension_semantics = [], scalar_prefetch = 0 : i64, scratch_operands = 0 : i64, tpu.core_type = #tpu.core_type<tc>} {
    %get3A = arith.constant 0 : index
    %get3A_0 = arith.constant 0 : index
    %get3A_1 = vector.load %arg1[%get3A, %get3A_0] : memref<20224x128xf32, #tpu.memory_space<vmem>>, vector<10000x1xf32>
    %max3A = arith.constant 1.000000e+00 : f32
    %max3A_2 = vector.broadcast %max3A : f32 to vector<10000x1xf32>
    %max3A_3 = arith.maximumf %get3A_1, %max3A_2 : vector<10000x1xf32>
    %div3A = arith.constant 1.000000e+00 : f32
    %div3A_4 = vector.broadcast %div3A : f32 to vector<10000x1xf32>
    %div3A_5 = arith.divf %div3A_4, %max3A_3 : vector<10000x1xf32>
    %get3A_6 = arith.constant 0 : index
    %get3A_7 = arith.constant 0 : index
    %get3A_8 = vector.load %arg0[%get3A_6, %get3A_7] : memref<20224x128xf32, #tpu.memory_space<vmem>>, vector<10000x128xf32>
    %mul3A = vector.broadcast %div3A_5 : vector<10000x1xf32> to vector<10000x128xf32>
    %mul3A_9 = arith.mulf %get3A_8, %mul3A : vector<10000x128xf32>
    %get3A_10 = arith.constant 0 : index
    %get3A_11 = arith.constant 0 : index
    %get3A_12 = vector.load %arg3[%get3A_10, %get3A_11] : memref<128x128xf32, #tpu.memory_space<vmem>>, vector<128x128xf32>
    %transpose3A = tpu.transpose %get3A_12, [1, 0] : vector<128x128xf32> -> vector<128x128xf32>
    %dot_general3A = arith.constant dense<0.000000e+00> : vector<10000x128xf32>
    %dot_general3A_13 = tpu.matmul %mul3A_9, %transpose3A, %dot_general3A {dimension_numbers = #tpu.dot_dimension_numbers<[1], [0], [0], [1], [0, 0, 1, 1], [], []>, transpose_lhs_hint = false} : vector<10000x128xf32>, vector<128x128xf32>, vector<10000x128xf32> -> vector<10000x128xf32>
    %get3A_14 = arith.constant 0 : index
    %get3A_15 = vector.load %arg4[%get3A_14] : memref<128xf32, #tpu.memory_space<vmem>>, vector<128xf32>
    %broadcast_in_dim3A = vector.shape_cast %get3A_15 : vector<128xf32> to vector<1x128xf32>
    %add3A = vector.broadcast %broadcast_in_dim3A : vector<1x128xf32> to vector<10000x128xf32>
    %add3A_16 = arith.addf %dot_general3A_13, %add3A : vector<10000x128xf32>
    %get3A_17 = arith.constant 10000 : index
    %get3A_18 = arith.constant 0 : index
    %get3A_19 = vector.load %arg2[%get3A_17, %get3A_18] : memref<20000x128xf32, #tpu.memory_space<vmem>>, vector<10000x128xf32>
    %get3A_20 = arith.constant 0 : index
    %get3A_21 = arith.constant 0 : index
    %get3A_22 = vector.load %arg5[%get3A_20, %get3A_21] : memref<128x128xf32, #tpu.memory_space<vmem>>, vector<128x128xf32>
    %transpose3A_23 = tpu.transpose %get3A_22, [1, 0] : vector<128x128xf32> -> vector<128x128xf32>
    %dot_general3A_24 = arith.constant dense<0.000000e+00> : vector<10000x128xf32>
    %dot_general3A_25 = tpu.matmul %get3A_19, %transpose3A_23, %dot_general3A_24 {dimension_numbers = #tpu.dot_dimension_numbers<[1], [0], [0], [1], [0, 0, 1, 1], [], []>, transpose_lhs_hint = false} : vector<10000x128xf32>, vector<128x128xf32>, vector<10000x128xf32> -> vector<10000x128xf32>
    %add3A_26 = arith.addf %add3A_16, %dot_general3A_25 : vector<10000x128xf32>
    %get3A_27 = arith.constant 0 : index
    %get3A_28 = vector.load %arg11[%get3A_27] : memref<128xf32, #tpu.memory_space<vmem>>, vector<128xf32>
    %get3A_29 = arith.constant 0 : index
    %get3A_30 = vector.load %arg12[%get3A_29] : memref<128xf32, #tpu.memory_space<vmem>>, vector<128xf32>
    %reduce_sum3A = arith.constant dense<0.000000e+00> : vector<128xf32>
    %reduce_sum3A_31 = vector.multi_reduction <add>, %add3A_26, %reduce_sum3A [0] : vector<10000x128xf32> to vector<128xf32>
    %broadcast_in_dim3A_32 = vector.shape_cast %reduce_sum3A_31 : vector<128xf32> to vector<1x128xf32>
    %div3A_33 = arith.constant 1.000000e+04 : f32
    %div3A_34 = vector.broadcast %div3A_33 : f32 to vector<1x128xf32>
    %div3A_35 = arith.divf %broadcast_in_dim3A_32, %div3A_34 : vector<1x128xf32>
    %sub3A = vector.broadcast %div3A_35 : vector<1x128xf32> to vector<10000x128xf32>
    %sub3A_36 = arith.subf %add3A_26, %sub3A : vector<10000x128xf32>
    %integer_pow3A = arith.mulf %sub3A_36, %sub3A_36 : vector<10000x128xf32>
    %reduce_sum3A_37 = arith.constant dense<0.000000e+00> : vector<128xf32>
    %reduce_sum3A_38 = vector.multi_reduction <add>, %integer_pow3A, %reduce_sum3A_37 [0] : vector<10000x128xf32> to vector<128xf32>
    %broadcast_in_dim3A_39 = vector.shape_cast %reduce_sum3A_38 : vector<128xf32> to vector<1x128xf32>
    %div3A_40 = arith.constant 1.000000e+04 : f32
    %div3A_41 = vector.broadcast %div3A_40 : f32 to vector<1x128xf32>
    %div3A_42 = arith.divf %broadcast_in_dim3A_39, %div3A_41 : vector<1x128xf32>
    %sub3A_43 = vector.broadcast %div3A_35 : vector<1x128xf32> to vector<10000x128xf32>
    %sub3A_44 = arith.subf %add3A_26, %sub3A_43 : vector<10000x128xf32>
    %add3A_45 = arith.constant 9.99999974E-6 : f32
    %add3A_46 = vector.broadcast %add3A_45 : f32 to vector<1x128xf32>
    %add3A_47 = arith.addf %div3A_42, %add3A_46 : vector<1x128xf32>
    %sqrt3A = math.sqrt %add3A_47 : vector<1x128xf32>
    %div3A_48 = vector.broadcast %sqrt3A : vector<1x128xf32> to vector<10000x128xf32>
    %div3A_49 = arith.divf %sub3A_44, %div3A_48 : vector<10000x128xf32>
    %broadcast_in_dim3A_50 = vector.shape_cast %get3A_28 : vector<128xf32> to vector<1x128xf32>
    %mul3A_51 = vector.broadcast %broadcast_in_dim3A_50 : vector<1x128xf32> to vector<10000x128xf32>
    %mul3A_52 = arith.mulf %div3A_49, %mul3A_51 : vector<10000x128xf32>
    %broadcast_in_dim3A_53 = vector.shape_cast %get3A_30 : vector<128xf32> to vector<1x128xf32>
    %add3A_54 = vector.broadcast %broadcast_in_dim3A_53 : vector<1x128xf32> to vector<10000x128xf32>
    %add3A_55 = arith.addf %mul3A_52, %add3A_54 : vector<10000x128xf32>
    %max3A_56 = arith.constant 0.000000e+00 : f32
    %max3A_57 = vector.broadcast %max3A_56 : f32 to vector<10000x128xf32>
    %max3A_58 = arith.maximumf %add3A_55, %max3A_57 : vector<10000x128xf32>
    %swap3A = arith.constant 10000 : index
    %swap3A_59 = arith.constant 0 : index
    %swap3A_60 = vector.load %arg13[%swap3A, %swap3A_59] : memref<20000x128xf32, #tpu.memory_space<vmem>>, vector<10000x128xf32>
    tpu.vector_store %arg13[%swap3A, %swap3A_59], %max3A_58 {strides = array<i32>} : memref<20000x128xf32, #tpu.memory_space<vmem>>, vector<10000x128xf32>,
    %get3A_61 = arith.constant 10112 : index
    %get3A_62 = arith.constant 0 : index
    %get3A_63 = vector.load %arg1[%get3A_61, %get3A_62] : memref<20224x128xf32, #tpu.memory_space<vmem>>, vector<10000x1xf32>
    %max3A_64 = arith.constant 1.000000e+00 : f32
    %max3A_65 = vector.broadcast %max3A_64 : f32 to vector<10000x1xf32>
    %max3A_66 = arith.maximumf %get3A_63, %max3A_65 : vector<10000x1xf32>
    %div3A_67 = arith.constant 1.000000e+00 : f32
    %div3A_68 = vector.broadcast %div3A_67 : f32 to vector<10000x1xf32>
    %div3A_69 = arith.divf %div3A_68, %max3A_66 : vector<10000x1xf32>
    %get3A_70 = arith.constant 10112 : index
    %get3A_71 = arith.constant 0 : index
    %get3A_72 = vector.load %arg0[%get3A_70, %get3A_71] : memref<20224x128xf32, #tpu.memory_space<vmem>>, vector<10000x128xf32>
    %mul3A_73 = vector.broadcast %div3A_69 : vector<10000x1xf32> to vector<10000x128xf32>
    %mul3A_74 = arith.mulf %get3A_72, %mul3A_73 : vector<10000x128xf32>
    %get3A_75 = arith.constant 0 : index
    %get3A_76 = arith.constant 0 : index
    %get3A_77 = vector.load %arg6[%get3A_75, %get3A_76] : memref<128x128xf32, #tpu.memory_space<vmem>>, vector<128x128xf32>
    %transpose3A_78 = tpu.transpose %get3A_77, [1, 0] : vector<128x128xf32> -> vector<128x128xf32>
    %dot_general3A_79 = arith.constant dense<0.000000e+00> : vector<10000x128xf32>
    %dot_general3A_80 = tpu.matmul %mul3A_74, %transpose3A_78, %dot_general3A_79 {dimension_numbers = #tpu.dot_dimension_numbers<[1], [0], [0], [1], [0, 0, 1, 1], [], []>, transpose_lhs_hint = false} : vector<10000x128xf32>, vector<128x128xf32>, vector<10000x128xf32> -> vector<10000x128xf32>
    %get3A_81 = arith.constant 0 : index
    %get3A_82 = vector.load %arg7[%get3A_81] : memref<128xf32, #tpu.memory_space<vmem>>, vector<128xf32>
    %broadcast_in_dim3A_83 = vector.shape_cast %get3A_82 : vector<128xf32> to vector<1x128xf32>
    %add3A_84 = vector.broadcast %broadcast_in_dim3A_83 : vector<1x128xf32> to vector<10000x128xf32>
    %add3A_85 = arith.addf %dot_general3A_80, %add3A_84 : vector<10000x128xf32>
    %get3A_86 = arith.constant 0 : index
    %get3A_87 = arith.constant 0 : index
    %get3A_88 = vector.load %arg2[%get3A_86, %get3A_87] : memref<20000x128xf32, #tpu.memory_space<vmem>>, vector<10000x128xf32>
    %get3A_89 = arith.constant 0 : index
    %get3A_90 = arith.constant 0 : index
    %get3A_91 = vector.load %arg8[%get3A_89, %get3A_90] : memref<128x128xf32, #tpu.memory_space<vmem>>, vector<128x128xf32>
    %transpose3A_92 = tpu.transpose %get3A_91, [1, 0] : vector<128x128xf32> -> vector<128x128xf32>
    %dot_general3A_93 = arith.constant dense<0.000000e+00> : vector<10000x128xf32>
    %dot_general3A_94 = tpu.matmul %get3A_88, %transpose3A_92, %dot_general3A_93 {dimension_numbers = #tpu.dot_dimension_numbers<[1], [0], [0], [1], [0, 0, 1, 1], [], []>, transpose_lhs_hint = false} : vector<10000x128xf32>, vector<128x128xf32>, vector<10000x128xf32> -> vector<10000x128xf32>
    %add3A_95 = arith.addf %add3A_85, %dot_general3A_94 : vector<10000x128xf32>
    %get3A_96 = arith.constant 0 : index
    %get3A_97 = vector.load %arg9[%get3A_96] : memref<128xf32, #tpu.memory_space<vmem>>, vector<128xf32>
    %get3A_98 = arith.constant 0 : index
    %get3A_99 = vector.load %arg10[%get3A_98] : memref<128xf32, #tpu.memory_space<vmem>>, vector<128xf32>
    %reduce_sum3A_100 = arith.constant dense<0.000000e+00> : vector<128xf32>
    %reduce_sum3A_101 = vector.multi_reduction <add>, %add3A_95, %reduce_sum3A_100 [0] : vector<10000x128xf32> to vector<128xf32>
    %broadcast_in_dim3A_102 = vector.shape_cast %reduce_sum3A_101 : vector<128xf32> to vector<1x128xf32>
    %div3A_103 = arith.constant 1.000000e+04 : f32
    %div3A_104 = vector.broadcast %div3A_103 : f32 to vector<1x128xf32>
    %div3A_105 = arith.divf %broadcast_in_dim3A_102, %div3A_104 : vector<1x128xf32>
    %sub3A_106 = vector.broadcast %div3A_105 : vector<1x128xf32> to vector<10000x128xf32>
    %sub3A_107 = arith.subf %add3A_95, %sub3A_106 : vector<10000x128xf32>
    %integer_pow3A_108 = arith.mulf %sub3A_107, %sub3A_107 : vector<10000x128xf32>
    %reduce_sum3A_109 = arith.constant dense<0.000000e+00> : vector<128xf32>
    %reduce_sum3A_110 = vector.multi_reduction <add>, %integer_pow3A_108, %reduce_sum3A_109 [0] : vector<10000x128xf32> to vector<128xf32>
    %broadcast_in_dim3A_111 = vector.shape_cast %reduce_sum3A_110 : vector<128xf32> to vector<1x128xf32>
    %div3A_112 = arith.constant 1.000000e+04 : f32
    %div3A_113 = vector.broadcast %div3A_112 : f32 to vector<1x128xf32>
    %div3A_114 = arith.divf %broadcast_in_dim3A_111, %div3A_113 : vector<1x128xf32>
    %sub3A_115 = vector.broadcast %div3A_105 : vector<1x128xf32> to vector<10000x128xf32>
    %sub3A_116 = arith.subf %add3A_95, %sub3A_115 : vector<10000x128xf32>
    %add3A_117 = arith.constant 9.99999974E-6 : f32
    %add3A_118 = vector.broadcast %add3A_117 : f32 to vector<1x128xf32>
    %add3A_119 = arith.addf %div3A_114, %add3A_118 : vector<1x128xf32>
    %sqrt3A_120 = math.sqrt %add3A_119 : vector<1x128xf32>
    %div3A_121 = vector.broadcast %sqrt3A_120 : vector<1x128xf32> to vector<10000x128xf32>
    %div3A_122 = arith.divf %sub3A_116, %div3A_121 : vector<10000x128xf32>
    %broadcast_in_dim3A_123 = vector.shape_cast %get3A_97 : vector<128xf32> to vector<1x128xf32>
    %mul3A_124 = vector.broadcast %broadcast_in_dim3A_123 : vector<1x128xf32> to vector<10000x128xf32>
    %mul3A_125 = arith.mulf %div3A_122, %mul3A_124 : vector<10000x128xf32>
    %broadcast_in_dim3A_126 = vector.shape_cast %get3A_99 : vector<128xf32> to vector<1x128xf32>
    %add3A_127 = vector.broadcast %broadcast_in_dim3A_126 : vector<1x128xf32> to vector<10000x128xf32>
    %add3A_128 = arith.addf %mul3A_125, %add3A_127 : vector<10000x128xf32>
    %max3A_129 = arith.constant 0.000000e+00 : f32
    %max3A_130 = vector.broadcast %max3A_129 : f32 to vector<10000x128xf32>
    %max3A_131 = arith.maximumf %add3A_128, %max3A_130 : vector<10000x128xf32>
    %swap3A_132 = arith.constant 0 : index
    %swap3A_133 = arith.constant 0 : index
    %swap3A_134 = vector.load %arg13[%swap3A_132, %swap3A_133] : memref<20000x128xf32, #tpu.memory_space<vmem>>, vector<10000x128xf32>
    tpu.vector_store %arg13[%swap3A_132, %swap3A_133], %max3A_131 {strides = array<i32>} : memref<20000x128xf32, #tpu.memory_space<vmem>>, vector<10000x128xf32>,
    return
  }
}

</mosaic_0001>

<sc_bundles>
// kernel: kernel.11.cloned.1.call-start
scs
__scs_entry_jumppad:
0x0: {  	(pc) =	sbr.rel $0x88, $3  }
0x1: {  	(tag) =	ssettag $0x0;
	lr =	simm.s32 $0x1  }
0x2: {  	[smem:$0x3F8F] =	sst lr;
	_ =	strace $0xD0000000  }
0x3: {  	_ = 	snop  }
0x4: {  	_ = 	snop  }
0x5: {  	_ = 	snop  }
0x6: {  	_ = 	snop  }
0x7: {  	_ = 	snop  }
__scs_overlays_trampoline_lowered:
0x8: {  	[smem:$0x3F9E] =	sst s0  }
0x9: {  	[smem:$0x3F9F] =	sst s1  }
0xa: {  	[smem:$0x3FA0] =	sst s2  }
0xb: {  	[smem:$0x3FA1] =	sst s3  }
0xc: {  	[smem:$0x3FA2] =	sst s4  }
0xd: {  	[smem:$0x3FA3] =	sst s5  }
0xe: {  	[smem:$0x3FA4] =	sst s6  }
0xf: {  	[smem:$0x3FA5] =	sst s7  }
0x10: {  	[smem:$0x3FA6] =	sst s8  }
0x11: {  	[smem:$0x3FA7] =	sst s9;
	s0 =	simm.s32 @!p0 $0x0  }
0x12: {  	s1 =	sld [smem:$0x3F8D];
	s0 =	simm.s32 @p0 $0x1  }
0x13: {  	[smem:$0x3FA8] =	sst s0;
	s0 =	simm.s32 @!p1 $0x0  }
0x14: {  	s2 =	sld [smem:$0x3F8C];
	s0 =	simm.s32 @p1 $0x1  }
0x15: {  	[smem:$0x3FA9] =	sst s0;
	s0 =	simm.s32 @!p2 $0x0  }
0x16: {  	s3 =	sld [smem:$0x3FDB];
	s0 =	simm.s32 @p2 $0x1  }
0x17: {  	s4 =	simm.s32 $0x1BF5;
	[smem:$0x3FAB] =	sst s0  }
0x18: {  	s0 =	sld [smem:$0x3F8E];
	_ =	swait.ge [sflag:s4], $0x0  }
0x19: {  	s7 =	sld [smem:$0x3F8F]  }
0x1a: {  	s8 =	sadd.s32 $0xFFFFE003, lr  }
0x1b: {  	s9 =	sadd.s32 $0xFFFFFEF7, lr;
	s5 =	simm.s32 $0xFFFFFFFF;
	p2 =	slt.u32 s8, $0xFFFFF086  }
0x1c: {  	p1 =	slt.u32 s9, $0xF7A;
	s5 =	simm.s32 @!p2 $0x0  }
0x1d: {  	s5 =	simm.s32 @p1 $0x1;
	p0 =	seq.s32 s7, s2  }
0x1e: {  	s7 =	smul.u32 @!p0 $0xF7A, s2;
	p2 =	seq.s32 @!p0 s5, $0x0  }
0x1f: {  	s9 =	smul.u32 $0xF7A, s1;
	s8 =	simm.s32 @!p0 $0x1BF5;
	p2 =	por !p2, p0  }
0x20: {  	[sflag:s8] =	ssyncset.s32 @!p0 $0xFFFFF086;
	s6 =	sadd.s32 @!p0 s3, s7;
	s7 =	simm.s32 @!p0 $0x108  }
0x21: {  	s3 =	sadd.s32 s3, s9;
	s6 =	sadd.s32 @!p0 $0x88, s6;
	s7 =	simm.s32 @p2 $0x1082  }
0x22: {  	[simem:s7], [sflag:s8] =	dma.local @!p0 [hbm:s6], $0xF7A  }
0x23: {  	s9 =	sor.u32 $0xD0000000, s2;
	s6 =	simm.s32 $0x108;
	_ =	swait.ge @!p0 [sflag:s8], $0x0  }
0x24: {  	s3 =	sadd.s32 $0x88, s3;
	s6 =	simm.s32 @!p1 $0x1082;
	[sflag:s4] =	ssyncset.s32 $0xFFFFF086  }
0x25: {  	[simem:s6], [sflag:s4] =	dma.local [hbm:s3], $0xF7A  }
0x26: {  	[smem:$0x3F8F] =	sst s1;
	(tag) =	ssettag s2;
	_ =	strace s9  }
0x27: {  	s1 =	sld [smem:$0x3F9F]  }
0x28: {  	s2 =	sld [smem:$0x3FA0]  }
0x29: {  	s4 =	sld [smem:$0x3FA2]  }
0x2a: {  	p0 =	seq.s32 s5, $0x0;
	s5 =	sld [smem:$0x3FA3]  }
0x2b: {  	s6 =	sld [smem:$0x3FA4]  }
0x2c: {  	s7 =	sld [smem:$0x3FA5]  }
0x2d: {  	s3 =	simm.s32 $0x108;
	s8 =	sld [smem:$0x3FA6]  }
0x2e: {  	s3 =	simm.s32 @!p0 $0x1082;
	s9 =	sld [smem:$0x3FA7]  }
0x2f: {  	lr =	sadd.s32 s0, s3;
	s0 =	sld [smem:$0x3F9E]  }
0x30: {  	s3 =	sld [smem:$0x3FA1]  }
0x31: {  	[smem:$0x3FAA] =	sst s10  }
0x32: {  	s10 =	sld [smem:$0x3FA8];
	_ =	sdelay $0x3  }
0x33: {  	p0 =	seq.s32 s10, $0x1;
	s10 =	sld [smem:$0x3FAA];
	_ =	sdelay $0x3  }
0x34: {  	[smem:$0x3FAA] =	sst s10  }
0x35: {  	s10 =	sld [smem:$0x3FA9];
	_ =	sdelay $0x3  }
0x36: {  	p1 =	seq.s32 s10, $0x1;
	s10 =	sld [smem:$0x3FAA];
	_ =	sdelay $0x3  }
0x37: {  	[smem:$0x3FAA] =	sst s10  }
0x38: {  	s10 =	sld [smem:$0x3FAB]  }
0x39: {  	_ = 	snop;
	(pc) =	sbr.ind lr, $3  }
0x3a: {  	_ = 	snop  }
0x3b: {  	_ = 	snop  }
0x3c: {  	p2 =	seq.s32 s10, $0x1;
	s10 =	sld [smem:$0x3FAA]  }
0x3d: {  	_ =	shalt  }
0x3e: {  	_ =	shalt  }
0x3f: {  	_ =	shalt  }
0x40: {  	_ =	shalt  }
0x41: {  	_ =	shalt  }
0x42: {  	_ =	shalt  }
0x43: {  	_ =	shalt  }
0x44: {  	_ =	shalt  }
0x45: {  	_ =	shalt  }
0x46: {  	_ =	shalt  }
0x47: {  	_ =	shalt  }
0x48: {  	_ =	shalt  }
0x49: {  	_ =	shalt  }
0x4a: {  	_ =	shalt  }
0x4b: {  	_ =	shalt  }
0x4c: {  	_ =	shalt  }
0x4d: {  	_ =	shalt  }
0x4e: {  	_ =	shalt  }
0x4f: {  	_ =	shalt  }
0x50: {  	_ =	shalt  }
0x51: {  	_ =	shalt  }
0x52: {  	_ =	shalt  }
0x53: {  	_ =	shalt  }
0x54: {  	_ =	shalt  }
0x55: {  	_ =	shalt  }
0x56: {  	_ =	shalt  }
0x57: {  	_ =	shalt  }
0x58: {  	_ =	shalt  }
0x59: {  	_ =	shalt  }
0x5a: {  	_ =	shalt  }
0x5b: {  	_ =	shalt  }
0x5c: {  	_ =	shalt  }
0x5d: {  	_ =	shalt  }
0x5e: {  	_ =	shalt  }
0x5f: {  	_ =	shalt  }
0x60: {  	_ =	shalt  }
0x61: {  	_ =	shalt  }
0x62: {  	_ =	shalt  }
0x63: {  	_ =	shalt  }
0x64: {  	_ =	shalt  }
0x65: {  	_ =	shalt  }
0x66: {  	_ =	shalt  }
0x67: {  	_ =	shalt  }
0x68: {  	_ =	shalt  }
0x69: {  	_ =	shalt  }
0x6a: {  	_ =	shalt  }
0x6b: {  	_ =	shalt  }
0x6c: {  	_ =	shalt  }
0x6d: {  	_ =	shalt  }
0x6e: {  	_ =	shalt  }
0x6f: {  	_ =	shalt  }
0x70: {  	_ =	shalt  }
0x71: {  	_ =	shalt  }
0x72: {  	_ =	shalt  }
0x73: {  	_ =	shalt  }
0x74: {  	_ =	shalt  }
0x75: {  	_ =	shalt  }
0x76: {  	_ =	shalt  }
0x77: {  	_ =	shalt  }
0x78: {  	_ =	shalt  }
0x79: {  	_ =	shalt  }
0x7a: {  	_ =	shalt  }
0x7b: {  	_ =	shalt  }
0x7c: {  	_ =	shalt  }
0x7d: {  	_ =	shalt  }
0x7e: {  	_ =	shalt  }
0x7f: {  	_ =	shalt  }
0x80: {  	_ =	shalt  }
0x81: {  	_ =	shalt  }
0x82: {  	_ =	shalt  }
0x83: {  	_ =	shalt  }
0x84: {  	_ =	shalt  }
0x85: {  	_ =	shalt  }
0x86: {  	_ =	shalt  }
0x87: {  	_ =	shalt  }
.Lfunc_end0:
.L_simem_size_0:
called_computation.1_lowered:
.L_overlay_start_0:
0x88: {  	s2 =	sld [smem:$0x3FD9]  }
0x89: {  	s3 =	sld [smem:$0x3FFE];
	_ =	sdelay $0x1  }
0x8a: {  	s1 =	srdreg.scid  }
0x8b: {  	s0 =	sand.u32 $0x1, s1  }
0x8c: {  	s14 =	sshll.u32 s0, $0xA;
	s2 =	sadd.s32 s3, s2  }
0x8d: {  	s2 =	sadd.s32 s2, s14  }
0x8e: {  	[smem:$0x3FB6] =	sst s2  }
0x8f: {  	_ = 	snop  }
0x90: {  	s2 =	sld [smem:$0x3FD0];
	_ =	sdelay $0x2  }
0x91: {  	s15 =	simm.s32 $0xB;
	s4 =	simm.s32 $0x10  }
0x92: {  	[smem:s4], [sflag:s15] =	dma.local [hbm:s2], $0x1  }
0x93: {  	_ =	swait.eq [sflag:s15], $0x1  }
0x94: {  	[sflag:s15] =	ssyncset.done $0x0  }
0x95: {  	s16 =	sld [smem:$0x10];
	[sflag:s15] =	ssyncadd.s32 $0xFFFFFFFF  }
0x96: {  	s17 =	sld [smem:$0x11];
	(tm) =	ssettm $0x1  }
0x97: {  	s18 =	sld [smem:$0x3FFB];
	_ =	sdelay $0x3  }
0x98: {  	_ =	strace s18  }
0x99: {  	s4 =	sld [smem:$0x3FFC];
	_ =	sdelay $0x3  }
0x9a: {  	_ =	strace s4  }
0x9b: {  	s4 =	sld [smem:$0x3FFD];
	_ =	sdelay $0x3  }
0x9c: {  	_ =	strace s4  }
0x9d: {  	_ =	strace $0x8FFFFFFF  }
0x9e: {  	s19 =	sld [smem:$0x3FDB];
	_ =	sdelay $0x1  }
0x9f: {  	s5 =	simm.s32 $_scs_section_size  }
0xa0: {  	s6 =	simm.s32 $_size__tile_overlayer_lowered;
	s7 =	simm.s32 $_tile_overlayer_lowered  }
0xa1: {  	s22 =	simm.s32 $0x1BFF;
	s21 =	sshll.u32 s7, $0x1;
	s4 =	sadd.s32 s5, s19  }
0xa2: {  	s8 =	simm.s32 $0x0;
	s20 =	sshll.u32 s6, $0x1;
	s6 =	sadd.s32 s21, s4  }
0xa3: {  	[timem:s8], [sflag:s22] =	dma.local [hbm:s6], s20  }
0xa4: {  	_ =	swait.ge [sflag:s22], s20  }
0xa5: {  	s5 =	ssub.s32 $0x0, s20;
	[sflag:s22] =	ssyncset.done $0x0  }
0xa6: {  	[sflag:s22] =	ssyncadd.s32 s5;
	_ =	sdelay $0x1  }
0xa7: {  	s23 =	simm.s32 $0x1B8B  }
0xa8: {  	_ =	swait.ge [sflag:s23], $0x1  }
0xa9: {  	[sflag:s23] =	ssyncset.done $0x0  }
0xaa: {  	s25 =	simm.s32 $0x1B8E;
	s24 =	sld [smem:$0x3FFE];
	[sflag:s23] =	ssyncadd.s32 $0xFFFFFFFF  }
0xab: {  	s26 =	simm.s32 $execute0_lowered;
	[smem:$0x3FD2] =	sst s25  }
0xac: {  	s6 =	sshll.u32 s26, $0x1;
	_ =	strace $0x80000046;
	[dreg:$0x1] =	wrdreg $0xFFFFFFFF  }
0xad: {  	s28 =	simm.s32 $_size_execute0_lowered;
	s4 =	sadd.s32 s4, s6;
	[dreg:$0x0] =	wrdreg $0x0  }
0xae: {  	s6 =	sshll.u32 s28, $0x1;
	[dreg:$0x2] =	wrdreg s4  }
0xaf: {  	[dreg:$0x3] =	wrdreg s6  }
0xb0: {  	[dreg:$0x4] =	wrdreg $0xC0  }
0xb1: {  	_ =	task [dreg:s8], $0x5FFFF  }
0xb2: {  	[dreg:$0x1] =	wrdreg $0xFFFFFFFF  }
0xb3: {  	[dreg:$0x0] =	wrdreg $0x60  }
0xb4: {  	[dreg:$0x2] =	wrdreg s24  }
0xb5: {  	[dreg:$0x3] =	wrdreg s16  }
0xb6: {  	[dreg:$0x4] =	wrdreg s17  }
0xb7: {  	[dreg:$0x5] =	wrdreg $0xA8000  }
0xb8: {  	[dreg:$0x6] =	wrdreg $0xA  }
0xb9: {  	_ =	task.clear_ibuf [dreg:s8], $0x7FFFF;
	_ =	strace $0x90000046  }
0xba: {  	s29 =	simm.s32 $0xA;
	_ =	strace $0x80000048  }
0xbb: {  	_ =	swait.ge [sflag:s29], $0x1  }
0xbc: {  	[sflag:s29] =	ssyncadd.s32 $0xFFFFFFFF  }
0xbd: {  	_ =	strace $0x90000048  }
0xbe: {  	_ =	sfence  }
0xbf: {  	s30 =	sld [smem:$0x0];
	_ =	sdelay $0x2  }
0xc0: {  	s31 =	sshll.u32 s1, $0xD;
	s1 =	sshrl.u32 s1, $0x2  }
0xc1: {  	s3 =	sand.u32 $0x4000, s31;
	s1 =	sadd.s32 s1, s30  }
0xc2: {  	s0 =	sor.u32 s3, s0;
	s1 =	sshll.u32 s1, $0x11  }
0xc3: {  	s0 =	sor.u32 s1, s0  }
0xc4: {  	s0 =	sadd.s32 $0x8F2B, s0  }
0xc5: {  	[sflag:s0] =	ssyncadd.remote.s32 $0x1  }
0xc6: {  	_ =	sfence.sel $0xFFFF  }
0xc7: {  	[dreg:$0x0] =	wrdreg $0xFFFFFFFF;
	(pc) =	sbr.abs _section_cstart, $3  }
0xc8: {  	[dreg:$0x1] =	wrdreg $0xFFFFFFFF  }
0xc9: {  	_ =	task.clear_ibuf [dreg:s8], $0x2FFFF;
	_ =	strace $0x9FFFFFFF  }
0xca: {  	(tm) =	ssettm $0x7FFFFFFF  }
0xcb: {  	_ =	shalt  }
tec
execute0_lowered:
.L_overlay_start_1:
0x0: {  	(tag) =	ssettag $0x1  }
0x1: {  	s8 =	rddreg [dreg:$0x0]  }
0x2: {  	s1 =	rddreg [dreg:$0x1]  }
0x3: {  	s3 =	rddreg [dreg:$0x2]  }
0x4: {  	s4 =	rddreg [dreg:$0x3]  }
0x5: {  	s0 =	rddreg [dreg:$0x4]  }
0x6: {  	s6 =	srdreg.scid;
	s2 =	stileid.u32;
	s5 =	simm.s32 $0x0  }
0x7: {  	s14 =	simm.s32 $0x1400;
	s15 =	simm.s32 $0x80;
	s16 =	simm.s32 $0x2800  }
0x8: {  	s17 =	simm.s32 $0x6800;
	s18 =	simm.s32 $0x1;
	s19 =	simm.s32 $0x2  }
0x9: {  	s20 =	simm.s32 $0x1380;
	s21 =	simm.s32 $0x2700;
	s22 =	simm.s32 $0x2780  }
0xa: {  	s9 =	sand.u32 $0x1, s6;
	s10 =	smul.u32 $0x2780, s2;
	[smem:$0x7FF] =	sst s5  }
0xb: {  	s6 =	sadd.s32 $0x4A00, s8;
	s7 =	sadd.s32 $0x52C00, s8;
	s13 =	smul.u32 $0x4F000, s2  }
0xc: {  	s31 =	sshll.u32 s2, $0x6;
	s11 =	smul.u32 $0x27800, s9;
	s28 =	ssub.s32 $0x2, s9  }
0xd: {  	_ =	strace $0x80000047;
	s9 =	sshll.u32 s9, $0x4;
	s12 =	sshrl.u32 s28, $0x1  }
0xe: {  	s29 =	sor.u32 s2, s9;
	s30 =	sshrl.u32 s13, $0x2;
	s9 =	sor.u32 $0x1C03, s31  }
0xf: {  	s10 =	sadd.s32 s10, s11;
	s11 =	ssub.s32 s28, s12;
	s13 =	sadd.s32 s30, s4  }
0x10: {  	s10 =	sadd.s32 s10, s8;
	s8 =	smul.u32 $0xA0, s29;
	s11 =	smax.u32 s11, $0x1  }
0x11: {  	s12 =	sshrl.u32 s13, $0x3;
	s13 =	simm.s32 $0x3;
	s10 =	sadd.s32 $0x55400, s10  }
.LBB2_1:
0x12: {  	[spmem:s12], [sflag:s9] =	dma.local [hbm:s7], $0x2780  }
0x13: {  	_ =	swait.ge [sflag:s13], $0x2780  }
0x14: {  	[sflag:s13] =	ssyncset.done $0x0  }
0x15: {  	[sflag:s13] =	ssyncadd.s32 $0xFFFFD880  }
0x16: {  	s23 =	simm.s32 $0x0;
	[bflag:$0x0] =	sbarrier.arrive $0xFFFF  }
.LBB2_2:
0x17: {  	s24 =	smul.u32 $0x28, s23;
	_ =	sdelay $0x1  }
0x18: {  	s24 =	sadd.s32 s8, s24  }
0x19: {  	s24 =	sshll.u32 s24, $0x4  }
0x1a: {  	s26 =	simm.s32 $0x0;
	s25 =	sadd.s32 s1, s24  }
0x1b: {  	[tilespmem:s26], [sflag:$0x3] =	stream.linear.gather [hbm4b:s25+s26], $0x1400, $0x38;
	[tilespmem:$0x1E400] =	vst v63  }
0x1c: {  	_ =	swait.ge [sflag:s13], $0x1400  }
0x1d: {  	[sflag:s13] =	ssyncset.done $0x0  }
0x1e: {  	s24 =	sadd.s32 s3, s24;
	[sflag:s13] =	ssyncadd.s32 $0xFFFFEC00  }
0x1f: {  	[tilespmem:s14], [sflag:$0x3] =	stream.linear.gather [hbm4b:s24+s26], $0x1400, $0x38;
	[tilespmem:$0x1E400] =	vst v63  }
0x20: {  	_ =	swait.ge [sflag:s13], $0x1400  }
0x21: {  	[sflag:s13] =	ssyncset.done $0x0  }
0x22: {  	[sflag:s13] =	ssyncadd.s32 $0xFFFFEC00  }
0x23: {  	[tilespmem:s16], [sflag:$0x1] =	stream.indirect.gather [hbm4b:s6+s15], $0x80, s26, s15, $0xb8;
	[tilespmem:$0x1E400] =	vst v63  }
0x24: {  	s28 =	simm.s32 $0x80  }
0x25: {  	[tilespmem:s17], [sflag:$0x2] =	stream.indirect.gather [hbm4b:s6+s15], $0x80, s28, s15, $0xb8;
	[tilespmem:$0x1E400] =	vst v63  }
0x26: {  	_ =	swait.ge [sflag:s18], $0x4000  }
0x27: {  	[sflag:s18] =	ssyncset.done $0x0  }
0x28: {  	s29 =	simm.s32 $0x1400;
	[sflag:s18] =	ssyncadd.s32 $0xFFFFC000  }
0x29: {  	[spmem:s4] =	stream.indirect.scatter.add.f32 [tilespmem:s16], [sflag:$0x3], $0x80, s29, s15, $0xb8;
	[tilespmem:$0x1E400] =	vst v63  }
0x2a: {  	_ =	swait.ge [sflag:s13], $0x4000  }
0x2b: {  	[sflag:s13] =	ssyncset.done $0x0  }
0x2c: {  	s30 =	simm.s32 $0x100;
	[sflag:s13] =	ssyncadd.s32 $0xFFFFC000  }
0x2d: {  	[tilespmem:s16], [sflag:$0x1] =	stream.indirect.gather [hbm4b:s6+s15], $0x80, s30, s15, $0xb8;
	[tilespmem:$0x1E400] =	vst v63  }
0x2e: {  	_ =	swait.ge [sflag:s19], $0x4000  }
0x2f: {  	[sflag:s19] =	ssyncset.done $0x0  }
0x30: {  	s31 =	simm.s32 $0x1480;
	[sflag:s19] =	ssyncadd.s32 $0xFFFFC000  }
0x31: {  	[spmem:s4] =	stream.indirect.scatter.add.f32 [tilespmem:s17], [sflag:$0x3], $0x80, s31, s15, $0xb8;
	[tilespmem:$0x1E400] =	vst v63  }
0x32: {  	_ =	swait.ge [sflag:s13], $0x4000  }
0x33: {  	s25 =	simm.s32 $0x800;
	s24 =	simm.s32 $0x100;
	[sflag:s13] =	ssyncset.done $0x0  }
.LBB2_3:
0x34: {  	s26 =	sadd.s32 $0x80, s24  }
0x35: {  	[sflag:s13] =	ssyncadd.s32 $0xFFFFC000;
	s28 =	smov.u32 s25;
	s29 =	sadd.s32 $0x400, s25  }
0x36: {  	[tilespmem:s17], [sflag:$0x2] =	stream.indirect.gather [hbm4b:s6+s15], $0x80, s26, s15, $0xb8;
	[tilespmem:$0x1E400] =	vst v63  }
0x37: {  	p0 =	sne.s32 s25, $0x4800;
	_ =	swait.ge [sflag:s18], $0x4000  }
0x38: {  	[sflag:s18] =	ssyncset.done $0x0  }
0x39: {  	s25 =	sadd.s32 $0x1400, s24;
	[sflag:s18] =	ssyncadd.s32 $0xFFFFC000  }
0x3a: {  	[spmem:s4] =	stream.indirect.scatter.add.f32 [tilespmem:s16], [sflag:$0x3], $0x80, s25, s15, $0xb8;
	[tilespmem:$0x1E400] =	vst v63  }
0x3b: {  	_ =	swait.ge [sflag:s13], $0x4000  }
0x3c: {  	[sflag:s13] =	ssyncset.done $0x0  }
0x3d: {  	s25 =	sadd.s32 $0x100, s24;
	[sflag:s13] =	ssyncadd.s32 $0xFFFFC000  }
0x3e: {  	[tilespmem:s16], [sflag:$0x1] =	stream.indirect.gather [hbm4b:s6+s15], $0x80, s25, s15, $0xb8;
	[tilespmem:$0x1E400] =	vst v63  }
0x3f: {  	_ =	swait.ge [sflag:s19], $0x4000  }
.Ltmp0:
0x40: {  	[sflag:s19] =	ssyncset.done $0x0;
	(pc) =	sbr.rel @p0 .LBB2_3-.Ltmp0, $4  }
0x41: {  	s24 =	sadd.s32 $0x1480, s24;
	[sflag:s19] =	ssyncadd.s32 $0xFFFFC000  }
0x42: {  	[spmem:s4] =	stream.indirect.scatter.add.f32 [tilespmem:s17], [sflag:$0x3], $0x80, s24, s15, $0xb8;
	[tilespmem:$0x1E400] =	vst v63  }
0x43: {  	_ =	swait.ge [sflag:s13], $0x4000  }
0x44: {  	s25 =	smov.u32 s29;
	s24 =	sshra.s32 s28, $0x2;
	[sflag:s13] =	ssyncset.done $0x0  }
0x45: {  	s25 =	sadd.s32 $0x80, s24;
	[sflag:s13] =	ssyncadd.s32 $0xFFFFC000  }
0x46: {  	[tilespmem:s17], [sflag:$0x2] =	stream.indirect.gather [hbm4b:s6+s15], $0x80, s25, s15, $0xb8;
	[tilespmem:$0x1E400] =	vst v63  }
0x47: {  	_ =	swait.ge [sflag:s18], $0x4000  }
0x48: {  	[sflag:s18] =	ssyncset.done $0x0  }
0x49: {  	s29 =	sadd.s32 $0x1400, s24;
	[sflag:s18] =	ssyncadd.s32 $0xFFFFC000  }
0x4a: {  	[spmem:s4] =	stream.indirect.scatter.add.f32 [tilespmem:s16], [sflag:$0x3], $0x80, s29, s15, $0xb8;
	[tilespmem:$0x1E400] =	vst v63  }
0x4b: {  	_ =	swait.ge [sflag:s13], $0x4000  }
0x4c: {  	[sflag:s13] =	ssyncset.done $0x0  }
0x4d: {  	s30 =	sadd.s32 $0x100, s24;
	[sflag:s13] =	ssyncadd.s32 $0xFFFFC000  }
0x4e: {  	[tilespmem:s16], [sflag:$0x1] =	stream.indirect.gather [hbm4b:s6+s15], $0x80, s30, s15, $0xb8;
	[tilespmem:$0x1E400] =	vst v63  }
0x4f: {  	_ =	swait.ge [sflag:s19], $0x4000  }
0x50: {  	[sflag:s19] =	ssyncset.done $0x0  }
0x51: {  	s31 =	sadd.s32 $0x1480, s24;
	[sflag:s19] =	ssyncadd.s32 $0xFFFFC000  }
0x52: {  	[spmem:s4] =	stream.indirect.scatter.add.f32 [tilespmem:s17], [sflag:$0x3], $0x80, s31, s15, $0xb8;
	[tilespmem:$0x1E400] =	vst v63  }
0x53: {  	_ =	swait.ge [sflag:s13], $0x4000  }
0x54: {  	[sflag:s13] =	ssyncset.done $0x0  }
0x55: {  	[sflag:s13] =	ssyncadd.s32 $0xFFFFC000  }
0x56: {  	[tilespmem:s17], [sflag:$0x2] =	stream.indirect.gather [hbm4b:s6+s15], $0x80, s20, s15, $0xb8;
	[tilespmem:$0x1E400] =	vst v63  }
0x57: {  	_ =	swait.ge [sflag:s18], $0x4000  }
0x58: {  	[sflag:s18] =	ssyncset.done $0x0  }
0x59: {  	[sflag:s18] =	ssyncadd.s32 $0xFFFFC000  }
0x5a: {  	[spmem:s4] =	stream.indirect.scatter.add.f32 [tilespmem:s16], [sflag:$0x3], $0x80, s21, s15, $0xb8;
	[tilespmem:$0x1E400] =	vst v63  }
0x5b: {  	_ =	swait.ge [sflag:s13], $0x4000  }
0x5c: {  	[sflag:s13] =	ssyncset.done $0x0  }
0x5d: {  	[sflag:s13] =	ssyncadd.s32 $0xFFFFC000  }
0x5e: {  	s23 =	sadd.s32 $0x1, s23;
	_ =	swait.ge [sflag:s19], $0x4000  }
0x5f: {  	p0 =	sne.s32 s23, $0x4;
	[sflag:s19] =	ssyncset.done $0x0  }
.Ltmp1:
0x60: {  	[sflag:s19] =	ssyncadd.s32 $0xFFFFC000;
	(pc) =	sbr.rel @p0 .LBB2_2-.Ltmp1, $4  }
0x61: {  	[spmem:s4] =	stream.indirect.scatter.add.f32 [tilespmem:s17], [sflag:$0x3], $0x80, s22, s15, $0xb8;
	[tilespmem:$0x1E400] =	vst v63  }
0x62: {  	_ =	swait.ge [sflag:s13], $0x4000  }
0x63: {  	[sflag:s13] =	ssyncset.done $0x0  }
0x64: {  	[sflag:s13] =	ssyncadd.s32 $0xFFFFC000  }
0x65: {  	s5 =	sadd.s32 $0x1, s5  }
0x66: {  	p0 =	sne.s32 s5, s11  }
.Ltmp2:
0x67: {  	[bflag:$0x0] =	sbarrier.arrive $0xFFFF;
	(pc) =	sbr.rel @p0 .LBB2_1-.Ltmp2, $4  }
0x68: {  	[hbm:s10], [sflag:s9] =	dma.local [spmem:s12], $0x2780  }
0x69: {  	_ =	swait.ge [sflag:s13], $0x2780  }
0x6a: {  	[sflag:s13] =	ssyncset.done $0x0  }
0x6b: {  	[sflag:s13] =	ssyncadd.s32 $0xFFFFD880  }
0x6c: {  	_ =	sfence.sel $0x180000  }
0x6d: {  	[bflag:$0x0] =	sbarrier.arrive $0xFFFF  }
0x6e: {  	p0 =	sne.s32 s2, $0x0;
	_ =	strace $0x90000047  }
0x6f: {  	s0 =	sadd.s32 @!p0 $0x100000, s0;
	[bflag:$0x2] =	sbarrier.arrive $0xFFFF  }
0x70: {  	[sflag:s0] =	ssyncadd.tile.s32 @!p0 $0x1;
	_ =	shalt  }
.Lfunc_end2:
_tile_overlayer_lowered:
.L_overlay_start_2:
0x71: {  	(tag) =	ssettag $0x2  }
0x72: {  	s0 =	rddreg [dreg:$0x0];
	s2 =	stileid.u32  }
0x73: {  	s1 =	rddreg [dreg:$0x1];
	p0 =	sne.s32 s2, $0x0  }
0x74: {  	s3 =	rddreg [dreg:$0x2];
	[bflag:$0x3] =	sbarrier.arrive $0xFFFF;
	s2 =	simm.s32 @!p0 $0x1C03  }
0x75: {  	[timem:s3], [sflag:s2] =	dma.local @!p0 [hbm:s0], s1  }
0x76: {  	s0 =	simm.s32 @!p0 $0x3  }
0x77: {  	_ =	swait.ge @!p0 [sflag:s0], s1  }
0x78: {  	s1 =	ssub.s32 @!p0 $0x0, s1;
	[sflag:s0] =	ssyncset.done @!p0 $0x0  }
0x79: {  	[sflag:s0] =	ssyncadd.s32 @!p0 s1  }
0x7a: {  	[bflag:$0x3] =	sbarrier.arrive $0xFFFF  }
0x7b: {  	_ =	shalt  }

// kernel: kernel.14.cloned.1.call-start
scs
__scs_entry_jumppad:
0x0: {  	(pc) =	sbr.rel $0x88, $3  }
0x1: {  	(tag) =	ssettag $0x0;
	lr =	simm.s32 $0x1  }
0x2: {  	[smem:$0x3F8F] =	sst lr;
	_ =	strace $0xD0000000  }
0x3: {  	_ = 	snop  }
0x4: {  	_ = 	snop  }
0x5: {  	_ = 	snop  }
0x6: {  	_ = 	snop  }
0x7: {  	_ = 	snop  }
__scs_overlays_trampoline_lowered:
0x8: {  	[smem:$0x3F9E] =	sst s0  }
0x9: {  	[smem:$0x3F9F] =	sst s1  }
0xa: {  	[smem:$0x3FA0] =	sst s2  }
0xb: {  	[smem:$0x3FA1] =	sst s3  }
0xc: {  	[smem:$0x3FA2] =	sst s4  }
0xd: {  	[smem:$0x3FA3] =	sst s5  }
0xe: {  	[smem:$0x3FA4] =	sst s6  }
0xf: {  	[smem:$0x3FA5] =	sst s7  }
0x10: {  	[smem:$0x3FA6] =	sst s8  }
0x11: {  	[smem:$0x3FA7] =	sst s9;
	s0 =	simm.s32 @!p0 $0x0  }
0x12: {  	s1 =	sld [smem:$0x3F8D];
	s0 =	simm.s32 @p0 $0x1  }
0x13: {  	[smem:$0x3FA8] =	sst s0;
	s0 =	simm.s32 @!p1 $0x0  }
0x14: {  	s2 =	sld [smem:$0x3F8C];
	s0 =	simm.s32 @p1 $0x1  }
0x15: {  	[smem:$0x3FA9] =	sst s0;
	s0 =	simm.s32 @!p2 $0x0  }
0x16: {  	s3 =	sld [smem:$0x3FDB];
	s0 =	simm.s32 @p2 $0x1  }
0x17: {  	s4 =	simm.s32 $0x1BF5;
	[smem:$0x3FAB] =	sst s0  }
0x18: {  	s0 =	sld [smem:$0x3F8E];
	_ =	swait.ge [sflag:s4], $0x0  }
0x19: {  	s7 =	sld [smem:$0x3F8F]  }
0x1a: {  	s8 =	sadd.s32 $0xFFFFE003, lr  }
0x1b: {  	s9 =	sadd.s32 $0xFFFFFEF7, lr;
	s5 =	simm.s32 $0xFFFFFFFF;
	p2 =	slt.u32 s8, $0xFFFFF086  }
0x1c: {  	p1 =	slt.u32 s9, $0xF7A;
	s5 =	simm.s32 @!p2 $0x0  }
0x1d: {  	s5 =	simm.s32 @p1 $0x1;
	p0 =	seq.s32 s7, s2  }
0x1e: {  	s7 =	smul.u32 @!p0 $0xF7A, s2;
	p2 =	seq.s32 @!p0 s5, $0x0  }
0x1f: {  	s9 =	smul.u32 $0xF7A, s1;
	s8 =	simm.s32 @!p0 $0x1BF5;
	p2 =	por !p2, p0  }
0x20: {  	[sflag:s8] =	ssyncset.s32 @!p0 $0xFFFFF086;
	s6 =	sadd.s32 @!p0 s3, s7;
	s7 =	simm.s32 @!p0 $0x108  }
0x21: {  	s3 =	sadd.s32 s3, s9;
	s6 =	sadd.s32 @!p0 $0x88, s6;
	s7 =	simm.s32 @p2 $0x1082  }
0x22: {  	[simem:s7], [sflag:s8] =	dma.local @!p0 [hbm:s6], $0xF7A  }
0x23: {  	s9 =	sor.u32 $0xD0000000, s2;
	s6 =	simm.s32 $0x108;
	_ =	swait.ge @!p0 [sflag:s8], $0x0  }
0x24: {  	s3 =	sadd.s32 $0x88, s3;
	s6 =	simm.s32 @!p1 $0x1082;
	[sflag:s4] =	ssyncset.s32 $0xFFFFF086  }
0x25: {  	[simem:s6], [sflag:s4] =	dma.local [hbm:s3], $0xF7A  }
0x26: {  	[smem:$0x3F8F] =	sst s1;
	(tag) =	ssettag s2;
	_ =	strace s9  }
0x27: {  	s1 =	sld [smem:$0x3F9F]  }
0x28: {  	s2 =	sld [smem:$0x3FA0]  }
0x29: {  	s4 =	sld [smem:$0x3FA2]  }
0x2a: {  	p0 =	seq.s32 s5, $0x0;
	s5 =	sld [smem:$0x3FA3]  }
0x2b: {  	s6 =	sld [smem:$0x3FA4]  }
0x2c: {  	s7 =	sld [smem:$0x3FA5]  }
0x2d: {  	s3 =	simm.s32 $0x108;
	s8 =	sld [smem:$0x3FA6]  }
0x2e: {  	s3 =	simm.s32 @!p0 $0x1082;
	s9 =	sld [smem:$0x3FA7]  }
0x2f: {  	lr =	sadd.s32 s0, s3;
	s0 =	sld [smem:$0x3F9E]  }
0x30: {  	s3 =	sld [smem:$0x3FA1]  }
0x31: {  	[smem:$0x3FAA] =	sst s10  }
0x32: {  	s10 =	sld [smem:$0x3FA8];
	_ =	sdelay $0x3  }
0x33: {  	p0 =	seq.s32 s10, $0x1;
	s10 =	sld [smem:$0x3FAA];
	_ =	sdelay $0x3  }
0x34: {  	[smem:$0x3FAA] =	sst s10  }
0x35: {  	s10 =	sld [smem:$0x3FA9];
	_ =	sdelay $0x3  }
0x36: {  	p1 =	seq.s32 s10, $0x1;
	s10 =	sld [smem:$0x3FAA];
	_ =	sdelay $0x3  }
0x37: {  	[smem:$0x3FAA] =	sst s10  }
0x38: {  	s10 =	sld [smem:$0x3FAB]  }
0x39: {  	_ = 	snop;
	(pc) =	sbr.ind lr, $3  }
0x3a: {  	_ = 	snop  }
0x3b: {  	_ = 	snop  }
0x3c: {  	p2 =	seq.s32 s10, $0x1;
	s10 =	sld [smem:$0x3FAA]  }
0x3d: {  	_ =	shalt  }
0x3e: {  	_ =	shalt  }
0x3f: {  	_ =	shalt  }
0x40: {  	_ =	shalt  }
0x41: {  	_ =	shalt  }
0x42: {  	_ =	shalt  }
0x43: {  	_ =	shalt  }
0x44: {  	_ =	shalt  }
0x45: {  	_ =	shalt  }
0x46: {  	_ =	shalt  }
0x47: {  	_ =	shalt  }
0x48: {  	_ =	shalt  }
0x49: {  	_ =	shalt  }
0x4a: {  	_ =	shalt  }
0x4b: {  	_ =	shalt  }
0x4c: {  	_ =	shalt  }
0x4d: {  	_ =	shalt  }
0x4e: {  	_ =	shalt  }
0x4f: {  	_ =	shalt  }
0x50: {  	_ =	shalt  }
0x51: {  	_ =	shalt  }
0x52: {  	_ =	shalt  }
0x53: {  	_ =	shalt  }
0x54: {  	_ =	shalt  }
0x55: {  	_ =	shalt  }
0x56: {  	_ =	shalt  }
0x57: {  	_ =	shalt  }
0x58: {  	_ =	shalt  }
0x59: {  	_ =	shalt  }
0x5a: {  	_ =	shalt  }
0x5b: {  	_ =	shalt  }
0x5c: {  	_ =	shalt  }
0x5d: {  	_ =	shalt  }
0x5e: {  	_ =	shalt  }
0x5f: {  	_ =	shalt  }
0x60: {  	_ =	shalt  }
0x61: {  	_ =	shalt  }
0x62: {  	_ =	shalt  }
0x63: {  	_ =	shalt  }
0x64: {  	_ =	shalt  }
0x65: {  	_ =	shalt  }
0x66: {  	_ =	shalt  }
0x67: {  	_ =	shalt  }
0x68: {  	_ =	shalt  }
0x69: {  	_ =	shalt  }
0x6a: {  	_ =	shalt  }
0x6b: {  	_ =	shalt  }
0x6c: {  	_ =	shalt  }
0x6d: {  	_ =	shalt  }
0x6e: {  	_ =	shalt  }
0x6f: {  	_ =	shalt  }
0x70: {  	_ =	shalt  }
0x71: {  	_ =	shalt  }
0x72: {  	_ =	shalt  }
0x73: {  	_ =	shalt  }
0x74: {  	_ =	shalt  }
0x75: {  	_ =	shalt  }
0x76: {  	_ =	shalt  }
0x77: {  	_ =	shalt  }
0x78: {  	_ =	shalt  }
0x79: {  	_ =	shalt  }
0x7a: {  	_ =	shalt  }
0x7b: {  	_ =	shalt  }
0x7c: {  	_ =	shalt  }
0x7d: {  	_ =	shalt  }
0x7e: {  	_ =	shalt  }
0x7f: {  	_ =	shalt  }
0x80: {  	_ =	shalt  }
0x81: {  	_ =	shalt  }
0x82: {  	_ =	shalt  }
0x83: {  	_ =	shalt  }
0x84: {  	_ =	shalt  }
0x85: {  	_ =	shalt  }
0x86: {  	_ =	shalt  }
0x87: {  	_ =	shalt  }
.Lfunc_end0:
.L_simem_size_0:
called_computation.2_lowered:
.L_overlay_start_0:
0x88: {  	s2 =	sld [smem:$0x3FD9]  }
0x89: {  	s3 =	sld [smem:$0x3FFE];
	_ =	sdelay $0x1  }
0x8a: {  	s1 =	srdreg.scid  }
0x8b: {  	s0 =	sand.u32 $0x1, s1  }
0x8c: {  	s14 =	sshll.u32 s0, $0xA;
	s2 =	sadd.s32 s3, s2  }
0x8d: {  	s2 =	sadd.s32 s2, s14  }
0x8e: {  	[smem:$0x3FB6] =	sst s2  }
0x8f: {  	_ = 	snop  }
0x90: {  	s2 =	sld [smem:$0x3FD0];
	_ =	sdelay $0x2  }
0x91: {  	s15 =	simm.s32 $0xB;
	s4 =	simm.s32 $0x10  }
0x92: {  	[smem:s4], [sflag:s15] =	dma.local [hbm:s2], $0x1  }
0x93: {  	_ =	swait.eq [sflag:s15], $0x1  }
0x94: {  	[sflag:s15] =	ssyncset.done $0x0  }
0x95: {  	s16 =	sld [smem:$0x10];
	[sflag:s15] =	ssyncadd.s32 $0xFFFFFFFF  }
0x96: {  	s17 =	sld [smem:$0x11];
	(tm) =	ssettm $0x1  }
0x97: {  	s18 =	sld [smem:$0x3FFB];
	_ =	sdelay $0x3  }
0x98: {  	_ =	strace s18  }
0x99: {  	s4 =	sld [smem:$0x3FFC];
	_ =	sdelay $0x3  }
0x9a: {  	_ =	strace s4  }
0x9b: {  	s4 =	sld [smem:$0x3FFD];
	_ =	sdelay $0x3  }
0x9c: {  	_ =	strace s4  }
0x9d: {  	_ =	strace $0x8FFFFFFF  }
0x9e: {  	s19 =	sld [smem:$0x3FDB];
	_ =	sdelay $0x1  }
0x9f: {  	s5 =	simm.s32 $_scs_section_size  }
0xa0: {  	s6 =	simm.s32 $_size__tile_overlayer_lowered;
	s7 =	simm.s32 $_tile_overlayer_lowered  }
0xa1: {  	s22 =	simm.s32 $0x1BFF;
	s21 =	sshll.u32 s7, $0x1;
	s4 =	sadd.s32 s5, s19  }
0xa2: {  	s8 =	simm.s32 $0x0;
	s20 =	sshll.u32 s6, $0x1;
	s6 =	sadd.s32 s21, s4  }
0xa3: {  	[timem:s8], [sflag:s22] =	dma.local [hbm:s6], s20  }
0xa4: {  	_ =	swait.ge [sflag:s22], s20  }
0xa5: {  	s5 =	ssub.s32 $0x0, s20;
	[sflag:s22] =	ssyncset.done $0x0  }
0xa6: {  	[sflag:s22] =	ssyncadd.s32 s5;
	_ =	sdelay $0x1  }
0xa7: {  	s23 =	simm.s32 $0x1B8B  }
0xa8: {  	_ =	swait.ge [sflag:s23], $0x1  }
0xa9: {  	[sflag:s23] =	ssyncset.done $0x0  }
0xaa: {  	s25 =	simm.s32 $0x1B8E;
	s24 =	sld [smem:$0x3FFE];
	[sflag:s23] =	ssyncadd.s32 $0xFFFFFFFF  }
0xab: {  	s26 =	simm.s32 $execute0_lowered;
	[smem:$0x3FD2] =	sst s25  }
0xac: {  	s6 =	sshll.u32 s26, $0x1;
	_ =	strace $0x8000004C;
	[dreg:$0x1] =	wrdreg $0xFFFFFFFF  }
0xad: {  	s28 =	simm.s32 $_size_execute0_lowered;
	s4 =	sadd.s32 s4, s6;
	[dreg:$0x0] =	wrdreg $0x0  }
0xae: {  	s6 =	sshll.u32 s28, $0x1;
	[dreg:$0x2] =	wrdreg s4  }
0xaf: {  	[dreg:$0x3] =	wrdreg s6  }
0xb0: {  	[dreg:$0x4] =	wrdreg $0xC0  }
0xb1: {  	_ =	task [dreg:s8], $0x5FFFF  }
0xb2: {  	[dreg:$0x1] =	wrdreg $0xFFFFFFFF  }
0xb3: {  	[dreg:$0x0] =	wrdreg $0x60  }
0xb4: {  	[dreg:$0x2] =	wrdreg s24  }
0xb5: {  	[dreg:$0x3] =	wrdreg s16  }
0xb6: {  	[dreg:$0x4] =	wrdreg s17  }
0xb7: {  	[dreg:$0x5] =	wrdreg $0xA8000  }
0xb8: {  	[dreg:$0x6] =	wrdreg $0x9  }
0xb9: {  	_ =	task.clear_ibuf [dreg:s8], $0x7FFFF;
	_ =	strace $0x9000004C  }
0xba: {  	s29 =	simm.s32 $0x9;
	_ =	strace $0x8000004E  }
0xbb: {  	_ =	swait.ge [sflag:s29], $0x1  }
0xbc: {  	[sflag:s29] =	ssyncadd.s32 $0xFFFFFFFF  }
0xbd: {  	_ =	strace $0x9000004E  }
0xbe: {  	_ =	sfence  }
0xbf: {  	s30 =	sld [smem:$0x0];
	_ =	sdelay $0x2  }
0xc0: {  	s31 =	sshll.u32 s1, $0xD;
	s1 =	sshrl.u32 s1, $0x2  }
0xc1: {  	s3 =	sand.u32 $0x4000, s31;
	s1 =	sadd.s32 s1, s30  }
0xc2: {  	s0 =	sor.u32 s3, s0;
	s1 =	sshll.u32 s1, $0x11  }
0xc3: {  	s0 =	sor.u32 s1, s0  }
0xc4: {  	s0 =	sadd.s32 $0x8F2B, s0  }
0xc5: {  	[sflag:s0] =	ssyncadd.remote.s32 $0x1  }
0xc6: {  	_ =	sfence.sel $0xFFFF  }
0xc7: {  	[dreg:$0x0] =	wrdreg $0xFFFFFFFF;
	(pc) =	sbr.abs _section_cstart, $3  }
0xc8: {  	[dreg:$0x1] =	wrdreg $0xFFFFFFFF  }
0xc9: {  	_ =	task.clear_ibuf [dreg:s8], $0x2FFFF;
	_ =	strace $0x9FFFFFFF  }
0xca: {  	(tm) =	ssettm $0x7FFFFFFF  }
0xcb: {  	_ =	shalt  }
tec
execute0_lowered:
.L_overlay_start_1:
0x0: {  	(tag) =	ssettag $0x1  }
0x1: {  	s8 =	rddreg [dreg:$0x0]  }
0x2: {  	s1 =	rddreg [dreg:$0x1]  }
0x3: {  	s3 =	rddreg [dreg:$0x2]  }
0x4: {  	s4 =	rddreg [dreg:$0x3]  }
0x5: {  	s0 =	rddreg [dreg:$0x4]  }
0x6: {  	s6 =	srdreg.scid;
	s2 =	stileid.u32;
	s5 =	simm.s32 $0x0  }
0x7: {  	s14 =	simm.s32 $0x1400;
	s15 =	simm.s32 $0x80;
	s16 =	simm.s32 $0x2800  }
0x8: {  	s17 =	simm.s32 $0x6800;
	s18 =	simm.s32 $0x1;
	s19 =	simm.s32 $0x2  }
0x9: {  	s20 =	simm.s32 $0x1380;
	s21 =	simm.s32 $0x2700;
	s22 =	simm.s32 $0x2780  }
0xa: {  	s9 =	sand.u32 $0x1, s6;
	s10 =	smul.u32 $0x2780, s2;
	[smem:$0x7FF] =	sst s5  }
0xb: {  	s6 =	sadd.s32 $0x4A00, s8;
	s7 =	sadd.s32 $0x52C00, s8;
	s13 =	smul.u32 $0x4F000, s2  }
0xc: {  	s31 =	sshll.u32 s2, $0x6;
	s11 =	smul.u32 $0x27800, s9;
	s28 =	ssub.s32 $0x2, s9  }
0xd: {  	_ =	strace $0x8000004D;
	s9 =	sshll.u32 s9, $0x4;
	s12 =	sshrl.u32 s28, $0x1  }
0xe: {  	s29 =	sor.u32 s2, s9;
	s30 =	sshrl.u32 s13, $0x2;
	s9 =	sor.u32 $0x1C03, s31  }
0xf: {  	s10 =	sadd.s32 s10, s11;
	s11 =	ssub.s32 s28, s12;
	s13 =	sadd.s32 s30, s4  }
0x10: {  	s10 =	sadd.s32 s10, s8;
	s8 =	smul.u32 $0xA0, s29;
	s11 =	smax.u32 s11, $0x1  }
0x11: {  	s12 =	sshrl.u32 s13, $0x3;
	s13 =	simm.s32 $0x3;
	s10 =	sadd.s32 $0x55400, s10  }
.LBB2_1:
0x12: {  	[spmem:s12], [sflag:s9] =	dma.local [hbm:s7], $0x2780  }
0x13: {  	_ =	swait.ge [sflag:s13], $0x2780  }
0x14: {  	[sflag:s13] =	ssyncset.done $0x0  }
0x15: {  	[sflag:s13] =	ssyncadd.s32 $0xFFFFD880  }
0x16: {  	s23 =	simm.s32 $0x0;
	[bflag:$0x0] =	sbarrier.arrive $0xFFFF  }
.LBB2_2:
0x17: {  	s24 =	smul.u32 $0x28, s23;
	_ =	sdelay $0x1  }
0x18: {  	s24 =	sadd.s32 s8, s24  }
0x19: {  	s24 =	sshll.u32 s24, $0x4  }
0x1a: {  	s26 =	simm.s32 $0x0;
	s25 =	sadd.s32 s1, s24  }
0x1b: {  	[tilespmem:s26], [sflag:$0x3] =	stream.linear.gather [hbm4b:s25+s26], $0x1400, $0x38;
	[tilespmem:$0x1E400] =	vst v63  }
0x1c: {  	_ =	swait.ge [sflag:s13], $0x1400  }
0x1d: {  	[sflag:s13] =	ssyncset.done $0x0  }
0x1e: {  	s24 =	sadd.s32 s3, s24;
	[sflag:s13] =	ssyncadd.s32 $0xFFFFEC00  }
0x1f: {  	[tilespmem:s14], [sflag:$0x3] =	stream.linear.gather [hbm4b:s24+s26], $0x1400, $0x38;
	[tilespmem:$0x1E400] =	vst v63  }
0x20: {  	_ =	swait.ge [sflag:s13], $0x1400  }
0x21: {  	[sflag:s13] =	ssyncset.done $0x0  }
0x22: {  	[sflag:s13] =	ssyncadd.s32 $0xFFFFEC00  }
0x23: {  	[tilespmem:s16], [sflag:$0x1] =	stream.indirect.gather [hbm4b:s6+s15], $0x80, s26, s15, $0xb8;
	[tilespmem:$0x1E400] =	vst v63  }
0x24: {  	s28 =	simm.s32 $0x80  }
0x25: {  	[tilespmem:s17], [sflag:$0x2] =	stream.indirect.gather [hbm4b:s6+s15], $0x80, s28, s15, $0xb8;
	[tilespmem:$0x1E400] =	vst v63  }
0x26: {  	_ =	swait.ge [sflag:s18], $0x4000  }
0x27: {  	[sflag:s18] =	ssyncset.done $0x0  }
0x28: {  	s29 =	simm.s32 $0x1400;
	[sflag:s18] =	ssyncadd.s32 $0xFFFFC000  }
0x29: {  	[spmem:s4] =	stream.indirect.scatter.add.f32 [tilespmem:s16], [sflag:$0x3], $0x80, s29, s15, $0xb8;
	[tilespmem:$0x1E400] =	vst v63  }
0x2a: {  	_ =	swait.ge [sflag:s13], $0x4000  }
0x2b: {  	[sflag:s13] =	ssyncset.done $0x0  }
0x2c: {  	s30 =	simm.s32 $0x100;
	[sflag:s13] =	ssyncadd.s32 $0xFFFFC000  }
0x2d: {  	[tilespmem:s16], [sflag:$0x1] =	stream.indirect.gather [hbm4b:s6+s15], $0x80, s30, s15, $0xb8;
	[tilespmem:$0x1E400] =	vst v63  }
0x2e: {  	_ =	swait.ge [sflag:s19], $0x4000  }
0x2f: {  	[sflag:s19] =	ssyncset.done $0x0  }
0x30: {  	s31 =	simm.s32 $0x1480;
	[sflag:s19] =	ssyncadd.s32 $0xFFFFC000  }
0x31: {  	[spmem:s4] =	stream.indirect.scatter.add.f32 [tilespmem:s17], [sflag:$0x3], $0x80, s31, s15, $0xb8;
	[tilespmem:$0x1E400] =	vst v63  }
0x32: {  	_ =	swait.ge [sflag:s13], $0x4000  }
0x33: {  	s25 =	simm.s32 $0x800;
	s24 =	simm.s32 $0x100;
	[sflag:s13] =	ssyncset.done $0x0  }
.LBB2_3:
0x34: {  	s26 =	sadd.s32 $0x80, s24  }
0x35: {  	[sflag:s13] =	ssyncadd.s32 $0xFFFFC000;
	s28 =	smov.u32 s25;
	s29 =	sadd.s32 $0x400, s25  }
0x36: {  	[tilespmem:s17], [sflag:$0x2] =	stream.indirect.gather [hbm4b:s6+s15], $0x80, s26, s15, $0xb8;
	[tilespmem:$0x1E400] =	vst v63  }
0x37: {  	p0 =	sne.s32 s25, $0x4800;
	_ =	swait.ge [sflag:s18], $0x4000  }
0x38: {  	[sflag:s18] =	ssyncset.done $0x0  }
0x39: {  	s25 =	sadd.s32 $0x1400, s24;
	[sflag:s18] =	ssyncadd.s32 $0xFFFFC000  }
0x3a: {  	[spmem:s4] =	stream.indirect.scatter.add.f32 [tilespmem:s16], [sflag:$0x3], $0x80, s25, s15, $0xb8;
	[tilespmem:$0x1E400] =	vst v63  }
0x3b: {  	_ =	swait.ge [sflag:s13], $0x4000  }
0x3c: {  	[sflag:s13] =	ssyncset.done $0x0  }
0x3d: {  	s25 =	sadd.s32 $0x100, s24;
	[sflag:s13] =	ssyncadd.s32 $0xFFFFC000  }
0x3e: {  	[tilespmem:s16], [sflag:$0x1] =	stream.indirect.gather [hbm4b:s6+s15], $0x80, s25, s15, $0xb8;
	[tilespmem:$0x1E400] =	vst v63  }
0x3f: {  	_ =	swait.ge [sflag:s19], $0x4000  }
.Ltmp0:
0x40: {  	[sflag:s19] =	ssyncset.done $0x0;
	(pc) =	sbr.rel @p0 .LBB2_3-.Ltmp0, $4  }
0x41: {  	s24 =	sadd.s32 $0x1480, s24;
	[sflag:s19] =	ssyncadd.s32 $0xFFFFC000  }
0x42: {  	[spmem:s4] =	stream.indirect.scatter.add.f32 [tilespmem:s17], [sflag:$0x3], $0x80, s24, s15, $0xb8;
	[tilespmem:$0x1E400] =	vst v63  }
0x43: {  	_ =	swait.ge [sflag:s13], $0x4000  }
0x44: {  	s25 =	smov.u32 s29;
	s24 =	sshra.s32 s28, $0x2;
	[sflag:s13] =	ssyncset.done $0x0  }
0x45: {  	s25 =	sadd.s32 $0x80, s24;
	[sflag:s13] =	ssyncadd.s32 $0xFFFFC000  }
0x46: {  	[tilespmem:s17], [sflag:$0x2] =	stream.indirect.gather [hbm4b:s6+s15], $0x80, s25, s15, $0xb8;
	[tilespmem:$0x1E400] =	vst v63  }
0x47: {  	_ =	swait.ge [sflag:s18], $0x4000  }
0x48: {  	[sflag:s18] =	ssyncset.done $0x0  }
0x49: {  	s29 =	sadd.s32 $0x1400, s24;
	[sflag:s18] =	ssyncadd.s32 $0xFFFFC000  }
0x4a: {  	[spmem:s4] =	stream.indirect.scatter.add.f32 [tilespmem:s16], [sflag:$0x3], $0x80, s29, s15, $0xb8;
	[tilespmem:$0x1E400] =	vst v63  }
0x4b: {  	_ =	swait.ge [sflag:s13], $0x4000  }
0x4c: {  	[sflag:s13] =	ssyncset.done $0x0  }
0x4d: {  	s30 =	sadd.s32 $0x100, s24;
	[sflag:s13] =	ssyncadd.s32 $0xFFFFC000  }
0x4e: {  	[tilespmem:s16], [sflag:$0x1] =	stream.indirect.gather [hbm4b:s6+s15], $0x80, s30, s15, $0xb8;
	[tilespmem:$0x1E400] =	vst v63  }
0x4f: {  	_ =	swait.ge [sflag:s19], $0x4000  }
0x50: {  	[sflag:s19] =	ssyncset.done $0x0  }
0x51: {  	s31 =	sadd.s32 $0x1480, s24;
	[sflag:s19] =	ssyncadd.s32 $0xFFFFC000  }
0x52: {  	[spmem:s4] =	stream.indirect.scatter.add.f32 [tilespmem:s17], [sflag:$0x3], $0x80, s31, s15, $0xb8;
	[tilespmem:$0x1E400] =	vst v63  }
0x53: {  	_ =	swait.ge [sflag:s13], $0x4000  }
0x54: {  	[sflag:s13] =	ssyncset.done $0x0  }
0x55: {  	[sflag:s13] =	ssyncadd.s32 $0xFFFFC000  }
0x56: {  	[tilespmem:s17], [sflag:$0x2] =	stream.indirect.gather [hbm4b:s6+s15], $0x80, s20, s15, $0xb8;
	[tilespmem:$0x1E400] =	vst v63  }
0x57: {  	_ =	swait.ge [sflag:s18], $0x4000  }
0x58: {  	[sflag:s18] =	ssyncset.done $0x0  }
0x59: {  	[sflag:s18] =	ssyncadd.s32 $0xFFFFC000  }
0x5a: {  	[spmem:s4] =	stream.indirect.scatter.add.f32 [tilespmem:s16], [sflag:$0x3], $0x80, s21, s15, $0xb8;
	[tilespmem:$0x1E400] =	vst v63  }
0x5b: {  	_ =	swait.ge [sflag:s13], $0x4000  }
0x5c: {  	[sflag:s13] =	ssyncset.done $0x0  }
0x5d: {  	[sflag:s13] =	ssyncadd.s32 $0xFFFFC000  }
0x5e: {  	s23 =	sadd.s32 $0x1, s23;
	_ =	swait.ge [sflag:s19], $0x4000  }
0x5f: {  	p0 =	sne.s32 s23, $0x4;
	[sflag:s19] =	ssyncset.done $0x0  }
.Ltmp1:
0x60: {  	[sflag:s19] =	ssyncadd.s32 $0xFFFFC000;
	(pc) =	sbr.rel @p0 .LBB2_2-.Ltmp1, $4  }
0x61: {  	[spmem:s4] =	stream.indirect.scatter.add.f32 [tilespmem:s17], [sflag:$0x3], $0x80, s22, s15, $0xb8;
	[tilespmem:$0x1E400] =	vst v63  }
0x62: {  	_ =	swait.ge [sflag:s13], $0x4000  }
0x63: {  	[sflag:s13] =	ssyncset.done $0x0  }
0x64: {  	[sflag:s13] =	ssyncadd.s32 $0xFFFFC000  }
0x65: {  	s5 =	sadd.s32 $0x1, s5  }
0x66: {  	p0 =	sne.s32 s5, s11  }
.Ltmp2:
0x67: {  	[bflag:$0x0] =	sbarrier.arrive $0xFFFF;
	(pc) =	sbr.rel @p0 .LBB2_1-.Ltmp2, $4  }
0x68: {  	[hbm:s10], [sflag:s9] =	dma.local [spmem:s12], $0x2780  }
0x69: {  	_ =	swait.ge [sflag:s13], $0x2780  }
0x6a: {  	[sflag:s13] =	ssyncset.done $0x0  }
0x6b: {  	[sflag:s13] =	ssyncadd.s32 $0xFFFFD880  }
0x6c: {  	_ =	sfence.sel $0x180000  }
0x6d: {  	[bflag:$0x0] =	sbarrier.arrive $0xFFFF  }
0x6e: {  	p0 =	sne.s32 s2, $0x0;
	_ =	strace $0x9000004D  }
0x6f: {  	s0 =	sadd.s32 @!p0 $0x100000, s0;
	[bflag:$0x2] =	sbarrier.arrive $0xFFFF  }
0x70: {  	[sflag:s0] =	ssyncadd.tile.s32 @!p0 $0x1;
	_ =	shalt  }
.Lfunc_end2:
_tile_overlayer_lowered:
.L_overlay_start_2:
0x71: {  	(tag) =	ssettag $0x2  }
0x72: {  	s0 =	rddreg [dreg:$0x0];
	s2 =	stileid.u32  }
0x73: {  	s1 =	rddreg [dreg:$0x1];
	p0 =	sne.s32 s2, $0x0  }
0x74: {  	s3 =	rddreg [dreg:$0x2];
	[bflag:$0x3] =	sbarrier.arrive $0xFFFF;
	s2 =	simm.s32 @!p0 $0x1C03  }
0x75: {  	[timem:s3], [sflag:s2] =	dma.local @!p0 [hbm:s0], s1  }
0x76: {  	s0 =	simm.s32 @!p0 $0x3  }
0x77: {  	_ =	swait.ge @!p0 [sflag:s0], s1  }
0x78: {  	s1 =	ssub.s32 @!p0 $0x0, s1;
	[sflag:s0] =	ssyncset.done @!p0 $0x0  }
0x79: {  	[sflag:s0] =	ssyncadd.s32 @!p0 s1  }
0x7a: {  	[bflag:$0x3] =	sbarrier.arrive $0xFFFF  }
0x7b: {  	_ =	shalt  }

// kernel: kernel.8.cloned.1.call-start
scs
__scs_entry_jumppad:
0x0: {  	(pc) =	sbr.rel $0x88, $3  }
0x1: {  	(tag) =	ssettag $0x0;
	lr =	simm.s32 $0x1  }
0x2: {  	[smem:$0x3F8F] =	sst lr;
	_ =	strace $0xD0000000  }
0x3: {  	_ = 	snop  }
0x4: {  	_ = 	snop  }
0x5: {  	_ = 	snop  }
0x6: {  	_ = 	snop  }
0x7: {  	_ = 	snop  }
__scs_overlays_trampoline_lowered:
0x8: {  	[smem:$0x3F9E] =	sst s0  }
0x9: {  	[smem:$0x3F9F] =	sst s1  }
0xa: {  	[smem:$0x3FA0] =	sst s2  }
0xb: {  	[smem:$0x3FA1] =	sst s3  }
0xc: {  	[smem:$0x3FA2] =	sst s4  }
0xd: {  	[smem:$0x3FA3] =	sst s5  }
0xe: {  	[smem:$0x3FA4] =	sst s6  }
0xf: {  	[smem:$0x3FA5] =	sst s7  }
0x10: {  	[smem:$0x3FA6] =	sst s8  }
0x11: {  	[smem:$0x3FA7] =	sst s9;
	s0 =	simm.s32 @!p0 $0x0  }
0x12: {  	s1 =	sld [smem:$0x3F8D];
	s0 =	simm.s32 @p0 $0x1  }
0x13: {  	[smem:$0x3FA8] =	sst s0;
	s0 =	simm.s32 @!p1 $0x0  }
0x14: {  	s2 =	sld [smem:$0x3F8C];
	s0 =	simm.s32 @p1 $0x1  }
0x15: {  	[smem:$0x3FA9] =	sst s0;
	s0 =	simm.s32 @!p2 $0x0  }
0x16: {  	s3 =	sld [smem:$0x3FDB];
	s0 =	simm.s32 @p2 $0x1  }
0x17: {  	s4 =	simm.s32 $0x1BF5;
	[smem:$0x3FAB] =	sst s0  }
0x18: {  	s0 =	sld [smem:$0x3F8E];
	_ =	swait.ge [sflag:s4], $0x0  }
0x19: {  	s7 =	sld [smem:$0x3F8F]  }
0x1a: {  	s8 =	sadd.s32 $0xFFFFE003, lr  }
0x1b: {  	s9 =	sadd.s32 $0xFFFFFEF7, lr;
	s5 =	simm.s32 $0xFFFFFFFF;
	p2 =	slt.u32 s8, $0xFFFFF086  }
0x1c: {  	p1 =	slt.u32 s9, $0xF7A;
	s5 =	simm.s32 @!p2 $0x0  }
0x1d: {  	s5 =	simm.s32 @p1 $0x1;
	p0 =	seq.s32 s7, s2  }
0x1e: {  	s7 =	smul.u32 @!p0 $0xF7A, s2;
	p2 =	seq.s32 @!p0 s5, $0x0  }
0x1f: {  	s9 =	smul.u32 $0xF7A, s1;
	s8 =	simm.s32 @!p0 $0x1BF5;
	p2 =	por !p2, p0  }
0x20: {  	[sflag:s8] =	ssyncset.s32 @!p0 $0xFFFFF086;
	s6 =	sadd.s32 @!p0 s3, s7;
	s7 =	simm.s32 @!p0 $0x108  }
0x21: {  	s3 =	sadd.s32 s3, s9;
	s6 =	sadd.s32 @!p0 $0x88, s6;
	s7 =	simm.s32 @p2 $0x1082  }
0x22: {  	[simem:s7], [sflag:s8] =	dma.local @!p0 [hbm:s6], $0xF7A  }
0x23: {  	s9 =	sor.u32 $0xD0000000, s2;
	s6 =	simm.s32 $0x108;
	_ =	swait.ge @!p0 [sflag:s8], $0x0  }
0x24: {  	s3 =	sadd.s32 $0x88, s3;
	s6 =	simm.s32 @!p1 $0x1082;
	[sflag:s4] =	ssyncset.s32 $0xFFFFF086  }
0x25: {  	[simem:s6], [sflag:s4] =	dma.local [hbm:s3], $0xF7A  }
0x26: {  	[smem:$0x3F8F] =	sst s1;
	(tag) =	ssettag s2;
	_ =	strace s9  }
0x27: {  	s1 =	sld [smem:$0x3F9F]  }
0x28: {  	s2 =	sld [smem:$0x3FA0]  }
0x29: {  	s4 =	sld [smem:$0x3FA2]  }
0x2a: {  	p0 =	seq.s32 s5, $0x0;
	s5 =	sld [smem:$0x3FA3]  }
0x2b: {  	s6 =	sld [smem:$0x3FA4]  }
0x2c: {  	s7 =	sld [smem:$0x3FA5]  }
0x2d: {  	s3 =	simm.s32 $0x108;
	s8 =	sld [smem:$0x3FA6]  }
0x2e: {  	s3 =	simm.s32 @!p0 $0x1082;
	s9 =	sld [smem:$0x3FA7]  }
0x2f: {  	lr =	sadd.s32 s0, s3;
	s0 =	sld [smem:$0x3F9E]  }
0x30: {  	s3 =	sld [smem:$0x3FA1]  }
0x31: {  	[smem:$0x3FAA] =	sst s10  }
0x32: {  	s10 =	sld [smem:$0x3FA8];
	_ =	sdelay $0x3  }
0x33: {  	p0 =	seq.s32 s10, $0x1;
	s10 =	sld [smem:$0x3FAA];
	_ =	sdelay $0x3  }
0x34: {  	[smem:$0x3FAA] =	sst s10  }
0x35: {  	s10 =	sld [smem:$0x3FA9];
	_ =	sdelay $0x3  }
0x36: {  	p1 =	seq.s32 s10, $0x1;
	s10 =	sld [smem:$0x3FAA];
	_ =	sdelay $0x3  }
0x37: {  	[smem:$0x3FAA] =	sst s10  }
0x38: {  	s10 =	sld [smem:$0x3FAB]  }
0x39: {  	_ = 	snop;
	(pc) =	sbr.ind lr, $3  }
0x3a: {  	_ = 	snop  }
0x3b: {  	_ = 	snop  }
0x3c: {  	p2 =	seq.s32 s10, $0x1;
	s10 =	sld [smem:$0x3FAA]  }
0x3d: {  	_ =	shalt  }
0x3e: {  	_ =	shalt  }
0x3f: {  	_ =	shalt  }
0x40: {  	_ =	shalt  }
0x41: {  	_ =	shalt  }
0x42: {  	_ =	shalt  }
0x43: {  	_ =	shalt  }
0x44: {  	_ =	shalt  }
0x45: {  	_ =	shalt  }
0x46: {  	_ =	shalt  }
0x47: {  	_ =	shalt  }
0x48: {  	_ =	shalt  }
0x49: {  	_ =	shalt  }
0x4a: {  	_ =	shalt  }
0x4b: {  	_ =	shalt  }
0x4c: {  	_ =	shalt  }
0x4d: {  	_ =	shalt  }
0x4e: {  	_ =	shalt  }
0x4f: {  	_ =	shalt  }
0x50: {  	_ =	shalt  }
0x51: {  	_ =	shalt  }
0x52: {  	_ =	shalt  }
0x53: {  	_ =	shalt  }
0x54: {  	_ =	shalt  }
0x55: {  	_ =	shalt  }
0x56: {  	_ =	shalt  }
0x57: {  	_ =	shalt  }
0x58: {  	_ =	shalt  }
0x59: {  	_ =	shalt  }
0x5a: {  	_ =	shalt  }
0x5b: {  	_ =	shalt  }
0x5c: {  	_ =	shalt  }
0x5d: {  	_ =	shalt  }
0x5e: {  	_ =	shalt  }
0x5f: {  	_ =	shalt  }
0x60: {  	_ =	shalt  }
0x61: {  	_ =	shalt  }
0x62: {  	_ =	shalt  }
0x63: {  	_ =	shalt  }
0x64: {  	_ =	shalt  }
0x65: {  	_ =	shalt  }
0x66: {  	_ =	shalt  }
0x67: {  	_ =	shalt  }
0x68: {  	_ =	shalt  }
0x69: {  	_ =	shalt  }
0x6a: {  	_ =	shalt  }
0x6b: {  	_ =	shalt  }
0x6c: {  	_ =	shalt  }
0x6d: {  	_ =	shalt  }
0x6e: {  	_ =	shalt  }
0x6f: {  	_ =	shalt  }
0x70: {  	_ =	shalt  }
0x71: {  	_ =	shalt  }
0x72: {  	_ =	shalt  }
0x73: {  	_ =	shalt  }
0x74: {  	_ =	shalt  }
0x75: {  	_ =	shalt  }
0x76: {  	_ =	shalt  }
0x77: {  	_ =	shalt  }
0x78: {  	_ =	shalt  }
0x79: {  	_ =	shalt  }
0x7a: {  	_ =	shalt  }
0x7b: {  	_ =	shalt  }
0x7c: {  	_ =	shalt  }
0x7d: {  	_ =	shalt  }
0x7e: {  	_ =	shalt  }
0x7f: {  	_ =	shalt  }
0x80: {  	_ =	shalt  }
0x81: {  	_ =	shalt  }
0x82: {  	_ =	shalt  }
0x83: {  	_ =	shalt  }
0x84: {  	_ =	shalt  }
0x85: {  	_ =	shalt  }
0x86: {  	_ =	shalt  }
0x87: {  	_ =	shalt  }
.Lfunc_end0:
.L_simem_size_0:
called_computation_lowered:
.L_overlay_start_0:
0x88: {  	s2 =	sld [smem:$0x3FD9]  }
0x89: {  	s3 =	sld [smem:$0x3FFE];
	_ =	sdelay $0x1  }
0x8a: {  	s1 =	srdreg.scid  }
0x8b: {  	s0 =	sand.u32 $0x1, s1  }
0x8c: {  	s15 =	sshll.u32 s0, $0xA;
	s2 =	sadd.s32 s3, s2  }
0x8d: {  	s2 =	sadd.s32 s2, s15  }
0x8e: {  	[smem:$0x3FB6] =	sst s2  }
0x8f: {  	_ = 	snop  }
0x90: {  	s2 =	sld [smem:$0x3FD0];
	_ =	sdelay $0x2  }
0x91: {  	s16 =	simm.s32 $0xB;
	s4 =	simm.s32 $0x10  }
0x92: {  	[smem:s4], [sflag:s16] =	dma.local [hbm:s2], $0x1  }
0x93: {  	_ =	swait.eq [sflag:s16], $0x1  }
0x94: {  	[sflag:s16] =	ssyncset.done $0x0  }
0x95: {  	[sflag:s16] =	ssyncadd.s32 $0xFFFFFFFF  }
0x96: {  	s17 =	sld [smem:$0x11];
	(tm) =	ssettm $0x1  }
0x97: {  	s18 =	sld [smem:$0x3FFB];
	_ =	sdelay $0x3  }
0x98: {  	_ =	strace s18  }
0x99: {  	s2 =	sld [smem:$0x3FFC];
	_ =	sdelay $0x3  }
0x9a: {  	_ =	strace s2  }
0x9b: {  	s2 =	sld [smem:$0x3FFD];
	_ =	sdelay $0x3  }
0x9c: {  	_ =	strace s2  }
0x9d: {  	_ =	strace $0x8FFFFFFF  }
0x9e: {  	s19 =	sld [smem:$0x3FDB];
	_ =	sdelay $0x1  }
0x9f: {  	s20 =	simm.s32 $_scs_section_size  }
0xa0: {  	s5 =	simm.s32 $_size__tile_overlayer_lowered;
	s6 =	simm.s32 $_tile_overlayer_lowered  }
0xa1: {  	s7 =	simm.s32 $0x1BFF;
	s21 =	sshll.u32 s6, $0x1;
	s4 =	sadd.s32 s20, s19  }
0xa2: {  	s22 =	simm.s32 $0x0;
	s5 =	sshll.u32 s5, $0x1;
	s6 =	sadd.s32 s21, s4  }
0xa3: {  	[timem:s22], [sflag:s7] =	dma.local [hbm:s6], s5  }
0xa4: {  	_ =	swait.ge [sflag:s7], s5  }
0xa5: {  	s5 =	ssub.s32 $0x0, s5;
	[sflag:s7] =	ssyncset.done $0x0  }
0xa6: {  	[sflag:s7] =	ssyncadd.s32 s5;
	_ =	sdelay $0x1  }
0xa7: {  	s23 =	simm.s32 $0x1B8B  }
0xa8: {  	_ =	swait.ge [sflag:s23], $0x1  }
0xa9: {  	[sflag:s23] =	ssyncset.done $0x0  }
0xaa: {  	[sflag:s23] =	ssyncadd.s32 $0xFFFFFFFF  }
0xab: {  	s5 =	sld [smem:$0x0]  }
0xac: {  	s6 =	sand.u32 $0xFFFFFFFE, s1  }
0xad: {  	p0 =	sne.s32 s1, s6  }
0xae: {  	s6 =	sshll.u32 @p0 s6, $0xE  }
0xaf: {  	s6 =	sadd.s32 @p0 $0x11B8D, s6;
	s7 =	sshll.u32 @p0 s5, $0x11  }
0xb0: {  	s6 =	sor.u32 @p0 s7, s6  }
0xb1: {  	[sflag:s6] =	ssyncadd.remote.s32 @p0 $0x1;
	_ =	sdelay $0x1  }
0xb2: {  	s6 =	simm.s32 @p0 $0x1B8D  }
0xb3: {  	_ =	swait.eq @p0 [sflag:s6], $0x1  }
0xb4: {  	[sflag:s6] =	ssyncadd.s32 @p0 $0xFFFFFFFF  }
0xb5: {  	s7 =	sshll.u32 @!p0 s1, $0xE  }
0xb6: {  	s7 =	sor.u32 @!p0 $0x4000, s7;
	s6 =	simm.s32 @!p0 $0x1B8D  }
0xb7: {  	s5 =	sshll.u32 @!p0 s5, $0x11;
	s7 =	sadd.s32 @!p0 $0x11B8D, s7;
	_ =	swait.eq @!p0 [sflag:s6], $0x1  }
0xb8: {  	s5 =	sor.u32 @!p0 s5, s7;
	[sflag:s6] =	ssyncadd.s32 @!p0 $0xFFFFFFFF  }
0xb9: {  	s25 =	simm.s32 $0x1B8E;
	s24 =	sld [smem:$0x3FFE];
	[sflag:s5] =	ssyncadd.remote.s32 @!p0 $0x1  }
0xba: {  	s26 =	simm.s32 $execute0_lowered;
	[smem:$0x3FD2] =	sst s25  }
0xbb: {  	s6 =	sshll.u32 s26, $0x1;
	_ =	strace $0x80000049;
	[dreg:$0x1] =	wrdreg $0xFFFFFFFF  }
0xbc: {  	s28 =	simm.s32 $_size_execute0_lowered;
	s4 =	sadd.s32 s4, s6;
	[dreg:$0x0] =	wrdreg $0x0  }
0xbd: {  	s6 =	sshll.u32 s28, $0x1;
	[dreg:$0x2] =	wrdreg s4  }
0xbe: {  	[dreg:$0x3] =	wrdreg s6  }
0xbf: {  	[dreg:$0x4] =	wrdreg $0xC0  }
0xc0: {  	_ =	task [dreg:s22], $0x5FFFF  }
0xc1: {  	[dreg:$0x1] =	wrdreg $0xFFFFFFFF  }
0xc2: {  	[dreg:$0x0] =	wrdreg $0x60  }
0xc3: {  	[dreg:$0x2] =	wrdreg s17  }
0xc4: {  	[dreg:$0x3] =	wrdreg s24  }
0xc5: {  	[dreg:$0x4] =	wrdreg $0x90000  }
0xc6: {  	[dreg:$0x5] =	wrdreg $0x9  }
0xc7: {  	_ =	task.clear_ibuf [dreg:s22], $0x6FFFF;
	_ =	strace $0x90000049  }
0xc8: {  	s29 =	simm.s32 $0x9;
	_ =	strace $0x8000004B  }
0xc9: {  	_ =	swait.ge [sflag:s29], $0x1  }
0xca: {  	[sflag:s29] =	ssyncadd.s32 $0xFFFFFFFF  }
0xcb: {  	_ =	strace $0x9000004B  }
0xcc: {  	_ =	sfence  }
0xcd: {  	s30 =	sld [smem:$0x0];
	_ =	sdelay $0x2  }
0xce: {  	s31 =	sshll.u32 s1, $0xD;
	s1 =	sshrl.u32 s1, $0x2  }
0xcf: {  	s4 =	sand.u32 $0x4000, s31;
	s1 =	sadd.s32 s1, s30  }
0xd0: {  	s0 =	sor.u32 s4, s0;
	s1 =	sshll.u32 s1, $0x11  }
0xd1: {  	s0 =	sor.u32 s1, s0  }
0xd2: {  	s0 =	sadd.s32 $0x8F2B, s0  }
0xd3: {  	[sflag:s0] =	ssyncadd.remote.s32 $0x1  }
0xd4: {  	_ =	sfence.sel $0xFFFF  }
0xd5: {  	[dreg:$0x0] =	wrdreg $0xFFFFFFFF;
	(pc) =	sbr.abs _section_cstart, $3  }
0xd6: {  	[dreg:$0x1] =	wrdreg $0xFFFFFFFF  }
0xd7: {  	_ =	task.clear_ibuf [dreg:s22], $0x2FFFF;
	_ =	strace $0x9FFFFFFF  }
0xd8: {  	(tm) =	ssettm $0x7FFFFFFF  }
0xd9: {  	_ =	shalt  }
tec
execute0_lowered:
.L_overlay_start_1:
0x0: {  	(tag) =	ssettag $0x1  }
0x1: {  	s6 =	rddreg [dreg:$0x0]  }
0x2: {  	s7 =	rddreg [dreg:$0x1]  }
0x3: {  	s1 =	rddreg [dreg:$0x2]  }
0x4: {  	s0 =	rddreg [dreg:$0x3];
	s3 =	simm.s32 $0x0  }
0x5: {  	s4 =	srdreg.scid;
	s2 =	stileid.u32;
	s13 =	simm.s32 $0x80  }
0x6: {  	s14 =	simm.s32 $0x0;
	[smem:$0x7FF] =	sst s3;
	s8 =	sand.u32 $0x1, s4  }
0x7: {  	s9 =	smul.u32 $0x2780, s2;
	s4 =	sadd.s32 $0xA4400, s7;
	s5 =	sadd.s32 $0x52C00, s7  }
0x8: {  	s12 =	smul.u32 $0x4F000, s2;
	s31 =	sshll.u32 s2, $0x6;
	_ =	strace $0x8000004A  }
0x9: {  	s10 =	smul.u32 $0x27800, s8;
	s11 =	sshll.u32 s8, $0x4;
	s8 =	ssub.s32 $0x2, s8  }
0xa: {  	s11 =	sor.u32 s2, s11;
	s29 =	sshrl.u32 s8, $0x1;
	s30 =	sshrl.u32 s12, $0x2  }
0xb: {  	s9 =	sadd.s32 s9, s10;
	s28 =	smul.u32 $0xA00, s11;
	s8 =	ssub.s32 s8, s29  }
0xc: {  	s12 =	sadd.s32 s30, s1;
	s10 =	simm.s32 $0x5000;
	s11 =	sor.u32 $0x1C01, s31  }
0xd: {  	s7 =	sadd.s32 s9, s7;
	s8 =	smax.u32 s8, $0x1;
	s9 =	simm.s32 $0x1  }
0xe: {  	s12 =	sshrl.u32 s12, $0x3;
	s6 =	sadd.s32 s6, s28;
	s7 =	sadd.s32 $0xA4C00, s7  }
.LBB2_1:
0xf: {  	[tilespmem:s3], [sflag:$0x1] =	stream.linear.gather [hbm4b:s6+s3], $0x5000, $0x38;
	[tilespmem:$0x1CC00] =	vst v63  }
0x10: {  	_ =	swait.ge [sflag:s9], $0x5000  }
0x11: {  	[sflag:s9] =	ssyncset.done $0x0  }
0x12: {  	[sflag:s9] =	ssyncadd.s32 $0xFFFFB000  }
0x13: {  	[tilespmem:s10], [sflag:$0x1] =	stream.linear.gather [hbm4b:s4+s3], $0x4000, $0x38;
	[tilespmem:$0x1CC00] =	vst v63  }
0x14: {  	_ =	swait.ge [sflag:s9], $0x4000  }
0x15: {  	[sflag:s9] =	ssyncset.done $0x0  }
0x16: {  	[sflag:s9] =	ssyncadd.s32 $0xFFFFC000  }
0x17: {  	[spmem:s12], [sflag:s11] =	dma.local [hbm:s5], $0x2780  }
0x18: {  	_ =	swait.ge [sflag:s9], $0x2780  }
0x19: {  	[sflag:s9] =	ssyncset.done $0x0  }
0x1a: {  	[sflag:s9] =	ssyncadd.s32 $0xFFFFD880  }
0x1b: {  	s15 =	simm.s32 $0x0;
	[bflag:$0x0] =	sbarrier.arrive $0xFFFF  }
0x1c: {  	[spmem:s1] =	stream.indirect.scatter.add.f32 [tilespmem:s10], [sflag:$0x1], $0x80, s15, s13, $0xb8;
	[tilespmem:$0x1CC00] =	vst v63  }
0x1d: {  	_ =	swait.ge [sflag:s9], $0x4000  }
0x1e: {  	s15 =	simm.s32 $0x200;
	[sflag:s9] =	ssyncset.done $0x0  }
.LBB2_2:
0x1f: {  	s16 =	sshra.s32 s15, $0x2;
	[sflag:s9] =	ssyncadd.s32 $0xFFFFC000;
	p0 =	sne.s32 s15, $0x13E00  }
0x20: {  	[spmem:s1] =	stream.indirect.scatter.add.f32 [tilespmem:s10], [sflag:$0x1], $0x80, s16, s13, $0xb8;
	[tilespmem:$0x1CC00] =	vst v63  }
.Ltmp0:
0x21: {  	_ = 	snop;
	(pc) =	sbr.rel @p0 .LBB2_2-.Ltmp0, $4  }
0x22: {  	_ = 	snop  }
0x23: {  	s15 =	sadd.s32 $0x200, s15  }
0x24: {  	_ =	swait.ge [sflag:s9], $0x4000  }
0x25: {  	[sflag:s9] =	ssyncset.done $0x0  }
0x26: {  	s14 =	sadd.s32 $0x1, s14  }
0x27: {  	[sflag:s9] =	ssyncadd.s32 $0xFFFFC000;
	p0 =	sne.s32 s14, s8  }
.Ltmp1:
0x28: {  	[bflag:$0x0] =	sbarrier.arrive $0xFFFF;
	(pc) =	sbr.rel @p0 .LBB2_1-.Ltmp1, $4  }
0x29: {  	[hbm:s7], [sflag:s11] =	dma.local [spmem:s12], $0x2780  }
0x2a: {  	_ =	swait.ge [sflag:s9], $0x2780  }
0x2b: {  	[sflag:s9] =	ssyncset.done $0x0  }
0x2c: {  	[sflag:s9] =	ssyncadd.s32 $0xFFFFD880  }
0x2d: {  	_ =	sfence.sel $0x180000  }
0x2e: {  	[bflag:$0x0] =	sbarrier.arrive $0xFFFF  }
0x2f: {  	p0 =	sne.s32 s2, $0x0;
	_ =	strace $0x9000004A  }
0x30: {  	s0 =	sadd.s32 @!p0 $0x100000, s0;
	[bflag:$0x2] =	sbarrier.arrive $0xFFFF  }
0x31: {  	[sflag:s0] =	ssyncadd.tile.s32 @!p0 $0x1;
	_ =	shalt  }
.Lfunc_end2:
_tile_overlayer_lowered:
.L_overlay_start_2:
0x32: {  	(tag) =	ssettag $0x2  }
0x33: {  	s0 =	rddreg [dreg:$0x0];
	s2 =	stileid.u32  }
0x34: {  	s1 =	rddreg [dreg:$0x1];
	p0 =	sne.s32 s2, $0x0  }
0x35: {  	s3 =	rddreg [dreg:$0x2];
	[bflag:$0x3] =	sbarrier.arrive $0xFFFF;
	s2 =	simm.s32 @!p0 $0x1C01  }
0x36: {  	[timem:s3], [sflag:s2] =	dma.local @!p0 [hbm:s0], s1  }
0x37: {  	s0 =	simm.s32 @!p0 $0x1  }
0x38: {  	_ =	swait.ge @!p0 [sflag:s0], s1  }
0x39: {  	s1 =	ssub.s32 @!p0 $0x0, s1;
	[sflag:s0] =	ssyncset.done @!p0 $0x0  }
0x3a: {  	[sflag:s0] =	ssyncadd.s32 @!p0 s1  }
0x3b: {  	[bflag:$0x3] =	sbarrier.arrive $0xFFFF  }
0x3c: {  	_ =	shalt  }

</sc_bundles>
